<compile_context>
chip_gen: v7x
topology: tpu7x:2x2x1
jax: 0.10.2.dev20260603
libtpu: 0.0.44.dev20260713+nightly
codegen_flags: <defaults>
</compile_context>

<pallas_src>
import functools

import jax
import jax.numpy as jnp
from jax import lax
from jax.experimental import pallas as pl
from jax.experimental.pallas import tpu as pltpu
from jax.experimental.pallas import tpu_sc as plsc

EMBED_DIM = 64
HIDDEN_DIM = 128
U_GROUP = 101
I_GROUP = 101
RECENT = 50
TAU = 0.8
BATCH_BLK = 256

_NC = 2
_NS = 16
_NW = _NC * _NS
_GW = 128
_PAD = 64


def _dot(a, b):
    return jnp.dot(a, b, preferred_element_type=jnp.float32)


@jax.jit
def _sc_gather(user_embed, item_embed, uid, iid, ibu, ibi):
    B = uid.shape[0]
    NR = ibu.shape[0]
    mesh = plsc.VectorSubcoreMesh(core_axis_name="c", subcore_axis_name="s")
    out_type = (
        jax.ShapeDtypeStruct((B, EMBED_DIM), jnp.float32),
        jax.ShapeDtypeStruct((B, EMBED_DIM), jnp.float32),
        jax.ShapeDtypeStruct((NR, EMBED_DIM), jnp.float32),
        jax.ShapeDtypeStruct((NR, EMBED_DIM), jnp.float32),
    )

    @functools.partial(
        pl.kernel,
        mesh=mesh,
        out_type=out_type,
        compiler_params=pltpu.CompilerParams(use_tc_tiling_on_sc=False),
        scratch_types=[
            pltpu.VMEM((NR // _NW,), jnp.int32),
            pltpu.VMEM((_GW, EMBED_DIM), jnp.float32),
            pltpu.VMEM((_GW, EMBED_DIM), jnp.float32),
            pltpu.VMEM((_GW, EMBED_DIM), jnp.float32),
            pltpu.VMEM((_GW, EMBED_DIM), jnp.float32),
            pltpu.VMEM((_GW, EMBED_DIM), jnp.float32),
            pltpu.VMEM((_GW, EMBED_DIM), jnp.float32),
            pltpu.VMEM((_GW, EMBED_DIM), jnp.float32),
            pltpu.VMEM((_GW, EMBED_DIM), jnp.float32),
            pltpu.SemaphoreType.DMA,
            pltpu.SemaphoreType.DMA,
            pltpu.SemaphoreType.DMA,
            pltpu.SemaphoreType.DMA,
            pltpu.SemaphoreType.DMA,
            pltpu.SemaphoreType.DMA,
            pltpu.SemaphoreType.DMA,
            pltpu.SemaphoreType.DMA,
            pltpu.SemaphoreType.DMA,
            pltpu.SemaphoreType.DMA,
            pltpu.SemaphoreType.DMA,
            pltpu.SemaphoreType.DMA,
            pltpu.SemaphoreType.DMA,
            pltpu.SemaphoreType.DMA,
            pltpu.SemaphoreType.DMA,
            pltpu.SemaphoreType.DMA,
        ],
    )
    def k(ue_hbm, ie_hbm, uid_hbm, iid_hbm, ibu_hbm, ibi_hbm,
          o_ue, o_ie, o_ur, o_ir,
          idxs, rows0, rows1, rows2, rows3, rows4, rows5, rows6, rows7,
          g0, g1, g2, g3, g4, g5, g6, g7,
          w0, w1, w2, w3, w4, w5, w6, w7):
        wid = lax.axis_index("s") * _NC + lax.axis_index("c")
        rows = (rows0, rows1, rows2, rows3, rows4, rows5, rows6, rows7)
        gsems = (g0, g1, g2, g3, g4, g5, g6, g7)
        wsems = (w0, w1, w2, w3, w4, w5, w6, w7)

        def job(idx_hbm, table_hbm, out_hbm, n):
            per_w = n // _NW
            chunks = per_w // _GW
            base0 = wid * per_w
            pltpu.sync_copy(idx_hbm.at[pl.ds(base0, per_w)],
                            idxs.at[pl.ds(0, per_w)])

            @pl.loop(0, chunks // 8)
            def _(t):
                gs = []
                for v in range(8):
                    off = (8 * t + v) * _GW
                    gs.append(pltpu.async_copy(
                        table_hbm.at[idxs.at[pl.ds(off, _GW)]],
                        rows[v], gsems[v]))
                ws = []
                for v in range(8):
                    off = base0 + (8 * t + v) * _GW
                    gs[v].wait()
                    ws.append(pltpu.async_copy(
                        rows[v], out_hbm.at[pl.ds(off, _GW)], wsems[v]))
                for v in range(8):
                    ws[v].wait()

        def id_job(idx_hbm, table_hbm, out_hbm):
            base = wid * (B // _NW)
            pltpu.sync_copy(idx_hbm.at[pl.ds(base, _GW)],
                            idxs.at[pl.ds(0, _GW)])
            pltpu.async_copy(table_hbm.at[idxs.at[pl.ds(0, _GW)]],
                             rows0, g0).wait()
            pltpu.sync_copy(rows0, out_hbm.at[pl.ds(base, _GW)])

        id_job(uid_hbm, ue_hbm, o_ue)
        id_job(iid_hbm, ie_hbm, o_ie)
        job(ibu_hbm, ie_hbm, o_ur, NR)
        job(ibi_hbm, ue_hbm, o_ir, NR)

    return k(user_embed, item_embed, uid, iid, ibu, ibi)


def _softmax_rows(counts):
    e = jnp.exp(jnp.log(counts + 1.0) / TAU)
    return e / jnp.sum(e, axis=1, keepdims=True)


def _stage1_body(cu1, cu2, ci1, ci2, uemb, iemb, gur, gir, ibu, ibi,
                 ie0, ue0, um, im, uV, iV, W1, b1, o_ref):
    mVu = _dot(um[...], uV[...])
    mVi = _dot(im[...], iV[...])

    u1 = _dot(_softmax_rows(cu1[...]), mVi)
    u2 = _dot(_softmax_rows(cu2[...]), mVu)
    i1 = _dot(_softmax_rows(ci1[...]), mVu)
    i2 = _dot(_softmax_rows(ci2[...]), mVi)

    n0u = jnp.sum((ibu[...][:, :RECENT] == 0).astype(jnp.float32),
                  axis=1)[:, None]
    n0i = jnp.sum((ibi[...][:, :RECENT] == 0).astype(jnp.float32),
                  axis=1)[:, None]
    gu = gur[...].reshape(BATCH_BLK, _PAD // 2, 2 * EMBED_DIM)
    gi = gir[...].reshape(BATCH_BLK, _PAD // 2, 2 * EMBED_DIM)
    su2 = jnp.sum(gu[:, :RECENT // 2, :], axis=1)
    si2 = jnp.sum(gi[:, :RECENT // 2, :], axis=1)
    s_ur = su2[:, :EMBED_DIM] + su2[:, EMBED_DIM:] - n0u * ie0[...]
    s_ir = si2[:, :EMBED_DIM] + si2[:, EMBED_DIM:] - n0i * ue0[...]
    urw = _dot(s_ur, iV[...])
    irw = _dot(s_ir, uV[...])

    h1 = (_dot(uemb[...], W1[0:64, :])
          + _dot(u1, W1[64:192, :])
          + _dot(u2, W1[192:320, :])
          + _dot(urw, W1[320:448, :])
          + _dot(iemb[...], W1[448:512, :])
          + _dot(i1, W1[512:640, :])
          + _dot(i2, W1[640:768, :])
          + _dot(irw, W1[768:896, :])
          + b1[...])
    o_ref[...] = h1


def _stage1(cu1, cu2, ci1, ci2, uemb, iemb, gur, gir, ibu, ibi,
            ie0, ue0, um, im, uV, iV, W1, b1):
    B = cu1.shape[0]
    nblk = B // BATCH_BLK
    D1 = W1.shape[1]
    blk = lambda s: pl.BlockSpec(s, lambda i: (i,) + (0,) * (len(s) - 1))
    full2 = lambda a: pl.BlockSpec(a.shape, lambda i: (0,) * a.ndim)
    g_spec = pl.BlockSpec((BATCH_BLK * _PAD // 2, 2 * EMBED_DIM),
                          lambda i: (i, 0))
    return pl.pallas_call(
        _stage1_body,
        grid=(nblk,),
        in_specs=[
            blk((BATCH_BLK, I_GROUP)), blk((BATCH_BLK, U_GROUP)),
            blk((BATCH_BLK, U_GROUP)), blk((BATCH_BLK, I_GROUP)),
            blk((BATCH_BLK, EMBED_DIM)), blk((BATCH_BLK, EMBED_DIM)),
            g_spec, g_spec,
            blk((BATCH_BLK, _PAD)), blk((BATCH_BLK, _PAD)),
            full2(ie0), full2(ue0), full2(um), full2(im),
            full2(uV), full2(iV), full2(W1), full2(b1),
        ],
        out_specs=blk((BATCH_BLK, D1)),
        out_shape=jax.ShapeDtypeStruct((B, D1), jnp.float32),
    )(cu1, cu2, ci1, ci2, uemb, iemb, gur, gir, ibu, ibi,
      ie0, ue0, um, im, uV, iV, W1, b1)


def _dice(h, alpha):
    n = h.shape[0]
    avg = jnp.mean(h, axis=0, keepdims=True)
    d = h - avg
    std = jnp.sqrt(jnp.sum(d * d, axis=0, keepdims=True) / (n - 1))
    p = jax.nn.sigmoid(d / std + 1e-08)
    return h * p + alpha * h * (1 - p)


def _stage2_body(h1, a1, W2, b2, a2, W3, b3, o_ref):
    h = _dice(h1[...], a1[0, 0])
    h = _dice(_dot(h, W2[...]) + b2[...], a2[0, 0])
    o_ref[...] = jax.nn.sigmoid(_dot(h, W3[...]) + b3[...])


def _stage2(h1, a1, W2, b2, a2, W3, b3):
    B = h1.shape[0]
    return pl.pallas_call(
        _stage2_body,
        out_shape=jax.ShapeDtypeStruct((B, 1), jnp.float32),
    )(h1, a1, W2, b2, a2, W3, b3)


def kernel(x, user_embed, item_embed, u_macro_embed, i_macro_embed,
           uQ, uK, uV, iQ, iK, iV, W1, b1, alpha1, W2, b2, alpha2, W3, b3):
    f32 = jnp.float32
    x = x.astype(jnp.int32)
    uid = x[:, 0]
    cu1 = x[:, 1:1 + I_GROUP].astype(f32)
    cu2 = x[:, 1 + I_GROUP:1 + I_GROUP + U_GROUP].astype(f32)
    ur = x[:, 1 + I_GROUP + U_GROUP:1 + I_GROUP + U_GROUP + RECENT]
    ic = 1 + I_GROUP + U_GROUP + RECENT
    iid = x[:, ic]
    ci1 = x[:, ic + 1:ic + 1 + U_GROUP].astype(f32)
    ci2 = x[:, ic + 1 + U_GROUP:ic + 1 + U_GROUP + I_GROUP].astype(f32)
    ir = x[:, ic + 1 + U_GROUP + I_GROUP:]

    B = x.shape[0]
    npad = _PAD - RECENT
    ibu = jnp.concatenate([ur, ur[:, :npad]], axis=1)
    ibi = jnp.concatenate([ir, ir[:, :npad]], axis=1)

    uemb, iemb, g_ur, g_ir = _sc_gather(user_embed, item_embed, uid, iid,
                                        ibu.reshape(-1), ibi.reshape(-1))
    g_ur = g_ur.reshape(-1, 2 * EMBED_DIM)
    g_ir = g_ir.reshape(-1, 2 * EMBED_DIM)

    h1 = _stage1(cu1, cu2, ci1, ci2, uemb, iemb, g_ur, g_ir, ibu, ibi,
                 item_embed[0:1, :], user_embed[0:1, :],
                 u_macro_embed, i_macro_embed, uV, iV,
                 W1, b1.reshape(1, -1))
    return _stage2(h1, alpha1.reshape(1, 1), W2, b2.reshape(1, -1),
                   alpha2.reshape(1, 1), W3, b3.reshape(1, 1))

# --- scband reference (transcript-rebuilt; emitter-appended) ---
"""Pipeline reference for scband-mac-gnn-17239998726508 (READ-ONLY COPY).

The authoritative reference and input builder live on the scoring server;
editing this copy changes nothing except your own understanding.
"""

import jax, jax.numpy as jnp
import numpy as np
import math

EMBED_DIM = 64
HIDDEN_DIM = 128
U_GROUP = 101
I_GROUP = 101
RECENT = 50
TAU = 0.8
BATCH = 4096
USER_VOCAB = 100000
ITEM_VOCAB = 100000
TOTAL_COLS = 2 + 2 * (U_GROUP + I_GROUP + RECENT)


def xavier(k, shape):
    lim = math.sqrt(6.0 / (shape[0] + shape[1]))
    return jax.random.uniform(k, shape, minval=-lim, maxval=lim, dtype=jnp.float32)


def setup_inputs(seed: int = 0):
    key = jax.random.key(seed)
    ks = jax.random.split(key, 16)
    inp = {}
    inp['x'] = jax.random.randint(ks[0], (BATCH, TOTAL_COLS), 0, 100000)
    inp['user_embed'] = xavier(ks[1], (USER_VOCAB, EMBED_DIM))
    inp['item_embed'] = xavier(ks[2], (ITEM_VOCAB, EMBED_DIM))
    inp['u_macro_embed'] = xavier(ks[3], (U_GROUP, EMBED_DIM))
    inp['i_macro_embed'] = xavier(ks[4], (I_GROUP, EMBED_DIM))
    inp['uQ'] = xavier(ks[5], (EMBED_DIM, HIDDEN_DIM))
    inp['uK'] = xavier(ks[6], (EMBED_DIM, HIDDEN_DIM))
    inp['uV'] = xavier(ks[7], (EMBED_DIM, HIDDEN_DIM))
    inp['iQ'] = xavier(ks[8], (EMBED_DIM, HIDDEN_DIM))
    inp['iK'] = xavier(ks[9], (EMBED_DIM, HIDDEN_DIM))
    inp['iV'] = xavier(ks[10], (EMBED_DIM, HIDDEN_DIM))
    inp['W1'] = xavier(ks[11], (EMBED_DIM * 14, 200))
    inp['b1'] = jnp.zeros((200,), dtype=jnp.float32)
    inp['alpha1'] = jnp.zeros((1,), dtype=jnp.float32)
    inp['W2'] = xavier(ks[12], (200, 80))
    inp['b2'] = jnp.zeros((80,), dtype=jnp.float32)
    inp['alpha2'] = jnp.zeros((1,), dtype=jnp.float32)
    inp['W3'] = xavier(ks[13], (80, 1))
    inp['b3'] = jnp.zeros((1,), dtype=jnp.float32)
    return inp


def _dice(x, alpha):
    avg = jnp.mean(x, axis=0)
    std = jnp.std(x, axis=0, ddof=1)
    norm_x = (x - avg) / std
    p = jax.nn.sigmoid(norm_x + 1e-08)
    return x * p + alpha * x * (1 - p)


def _aggregate(query, key_t, Qw, Kw, Vw):
    trans_Q = query @ Qw
    trans_K = key_t @ Kw
    trans_V = query @ Vw
    score = jax.nn.softmax(jnp.einsum('bld,bmd->blm', trans_Q, trans_K) / math.sqrt(HIDDEN_DIM), axis=-1)
    return trans_V * score


def reference(x, user_embed, item_embed, u_macro_embed, i_macro_embed, uQ, uK, uV, iQ, iK, iV, W1, b1, alpha1, W2, b2, alpha2, W3, b3):
    B = x.shape[0]
    user_embedding = jnp.take(user_embed, x[:, 0], axis=0)
    user_1ord = x[:, 1:1 + I_GROUP]
    user_2ord = x[:, 1 + I_GROUP:1 + I_GROUP + U_GROUP]
    user_recent = x[:, 1 + I_GROUP + U_GROUP:1 + I_GROUP + U_GROUP + RECENT]
    item_col = 1 + I_GROUP + U_GROUP + RECENT
    item_embedding = jnp.take(item_embed, x[:, item_col], axis=0)
    item_1ord = x[:, item_col + 1:item_col + 1 + U_GROUP]
    item_2ord = x[:, item_col + 1 + U_GROUP:item_col + 1 + U_GROUP + I_GROUP]
    item_recent = x[:, item_col + 1 + U_GROUP + I_GROUP:]
    u_slice = jnp.broadcast_to(jnp.arange(U_GROUP)[None, :], (B, U_GROUP))
    i_slice = jnp.broadcast_to(jnp.arange(I_GROUP)[None, :], (B, I_GROUP))
    user_recent_mask = (user_recent > 0).astype(jnp.float32)[..., None]
    item_recent_mask = (item_recent > 0).astype(jnp.float32)[..., None]
    w_u1 = jax.nn.softmax(jnp.log(user_1ord.astype(jnp.float32) + 1.0) / TAU, axis=1)[..., None]
    w_u2 = jax.nn.softmax(jnp.log(user_2ord.astype(jnp.float32) + 1.0) / TAU, axis=1)[..., None]
    w_i1 = jax.nn.softmax(jnp.log(item_1ord.astype(jnp.float32) + 1.0) / TAU, axis=1)[..., None]
    w_i2 = jax.nn.softmax(jnp.log(item_2ord.astype(jnp.float32) + 1.0) / TAU, axis=1)[..., None]
    user_1ord_emb = jnp.take(i_macro_embed, i_slice, axis=0)
    user_2ord_emb = jnp.take(u_macro_embed, u_slice, axis=0)
    item_1ord_emb = jnp.take(u_macro_embed, u_slice, axis=0)
    item_2ord_emb = jnp.take(i_macro_embed, i_slice, axis=0)
    user_recent_emb = jnp.take(item_embed, user_recent, axis=0)
    item_recent_emb = jnp.take(user_embed, item_recent, axis=0)
    u1 = _aggregate(user_1ord_emb, item_embedding[:, None, :], iQ, iK, iV)
    u2 = _aggregate(user_2ord_emb, user_embedding[:, None, :], uQ, uK, uV)
    i1 = _aggregate(item_1ord_emb, user_embedding[:, None, :], uQ, uK, uV)
    i2 = _aggregate(item_2ord_emb, item_embedding[:, None, :], iQ, iK, iV)
    ur = _aggregate(user_recent_emb, item_embedding[:, None, :], iQ, iK, iV)
    ir = _aggregate(item_recent_emb, user_embedding[:, None, :], uQ, uK, uV)
    user_1ord_ws = (u1 * w_u1).sum(axis=1)
    user_2ord_ws = (u2 * w_u2).sum(axis=1)
    item_1ord_ws = (i1 * w_i1).sum(axis=1)
    item_2ord_ws = (i2 * w_i2).sum(axis=1)
    user_recent_ws = (ur * user_recent_mask).sum(axis=1)
    item_recent_ws = (ir * item_recent_mask).sum(axis=1)
    concated = jnp.concatenate([user_embedding, user_1ord_ws, user_2ord_ws, user_recent_ws, item_embedding, item_1ord_ws, item_2ord_ws, item_recent_ws], axis=1)
    h = _dice(concated @ W1 + b1, alpha1)
    h = _dice(h @ W2 + b2, alpha2)
    out = jax.nn.sigmoid(h @ W3 + b3)
    return out

if __name__ == "__main__":
    import jax
    _d = setup_inputs()
    print(jax.jit(kernel)(*tuple(_d.values())))

</pallas_src>

<mosaic_0001>
#map = affine_map<(d0, d1) -> (0, 0)>
#map1 = affine_map<(d0, d1) -> (0)>
module attributes {stable_mosaic.version = 14 : i64} {
  func.func @k(%arg0: i32, %arg1: i32, %arg2: memref<100000x64xf32, #tpu.memory_space<hbm>>, %arg3: memref<100000x64xf32, #tpu.memory_space<hbm>>, %arg4: memref<4096xi32, #tpu.memory_space<hbm>>, %arg5: memref<4096xi32, #tpu.memory_space<hbm>>, %arg6: memref<262144xi32, #tpu.memory_space<hbm>>, %arg7: memref<262144xi32, #tpu.memory_space<hbm>>, %arg8: memref<4096x64xf32, #tpu.memory_space<hbm>>, %arg9: memref<4096x64xf32, #tpu.memory_space<hbm>>, %arg10: memref<262144x64xf32, #tpu.memory_space<hbm>>, %arg11: memref<262144x64xf32, #tpu.memory_space<hbm>>, %arg12: memref<8192xi32, #tpu.memory_space<vmem>>, %arg13: memref<128x64xf32, #tpu.memory_space<vmem>>, %arg14: memref<128x64xf32, #tpu.memory_space<vmem>>, %arg15: memref<128x64xf32, #tpu.memory_space<vmem>>, %arg16: memref<128x64xf32, #tpu.memory_space<vmem>>, %arg17: memref<128x64xf32, #tpu.memory_space<vmem>>, %arg18: memref<128x64xf32, #tpu.memory_space<vmem>>, %arg19: memref<128x64xf32, #tpu.memory_space<vmem>>, %arg20: memref<128x64xf32, #tpu.memory_space<vmem>>, %arg21: memref<!tpu.dma_semaphore, #tpu.memory_space<semaphore_mem>>, %arg22: memref<!tpu.dma_semaphore, #tpu.memory_space<semaphore_mem>>, %arg23: memref<!tpu.dma_semaphore, #tpu.memory_space<semaphore_mem>>, %arg24: memref<!tpu.dma_semaphore, #tpu.memory_space<semaphore_mem>>, %arg25: memref<!tpu.dma_semaphore, #tpu.memory_space<semaphore_mem>>, %arg26: memref<!tpu.dma_semaphore, #tpu.memory_space<semaphore_mem>>, %arg27: memref<!tpu.dma_semaphore, #tpu.memory_space<semaphore_mem>>, %arg28: memref<!tpu.dma_semaphore, #tpu.memory_space<semaphore_mem>>, %arg29: memref<!tpu.dma_semaphore, #tpu.memory_space<semaphore_mem>>, %arg30: memref<!tpu.dma_semaphore, #tpu.memory_space<semaphore_mem>>, %arg31: memref<!tpu.dma_semaphore, #tpu.memory_space<semaphore_mem>>, %arg32: memref<!tpu.dma_semaphore, #tpu.memory_space<semaphore_mem>>, %arg33: memref<!tpu.dma_semaphore, #tpu.memory_space<semaphore_mem>>, %arg34: memref<!tpu.dma_semaphore, #tpu.memory_space<semaphore_mem>>, %arg35: memref<!tpu.dma_semaphore, #tpu.memory_space<semaphore_mem>>, %arg36: memref<!tpu.dma_semaphore, #tpu.memory_space<semaphore_mem>>) attributes {dimension_semantics = [#tpu.dimension_semantics<core_parallel>, #tpu.dimension_semantics<subcore_parallel>], iteration_bounds = array<i64: 2, 16>, scalar_prefetch = 0 : i64, scratch_operands = 25 : i64, tpu.core_type = #tpu.core_type<sc_vector_subcore>, window_params = [{transform_indices = #map}, {transform_indices = #map}, {transform_indices = #map1}, {transform_indices = #map1}, {transform_indices = #map1}, {transform_indices = #map1}, {transform_indices = #map}, {transform_indices = #map}, {transform_indices = #map}, {transform_indices = #map}]} {
    %mul3A = arith.constant 2 : i32
    %mul3A_0 = arith.muli %arg1, %mul3A : i32
    %add3A = arith.addi %mul3A_0, %arg0 : i32
    %mul3A_1 = arith.constant 128 : i32
    %mul3A_2 = arith.muli %add3A, %mul3A_1 : i32
    "tpu.region"() ({
      %run_scoped3A = tpu.sem_alloc : memref<!tpu.dma_semaphore, #tpu.memory_space<semaphore_mem>>
      %dma_start3A_36 = arith.constant 0 : i32
      %dma_start3A_37 = tpu.memref_slice %arg12[%dma_start3A_36] : memref<8192xi32, #tpu.memory_space<vmem>> -> memref<128xi32, #tpu.memory_space<vmem>>
      %dma_start3A_38 = tpu.memref_slice %arg4[%mul3A_2] : memref<4096xi32, #tpu.memory_space<hbm>> -> memref<128xi32, #tpu.memory_space<hbm>>
      %dma_start3A_39 = arith.constant 0 : i32
      %dma_start3A_40 = tpu.memref_slice %arg12[%dma_start3A_39] : memref<8192xi32, #tpu.memory_space<vmem>> -> memref<128xi32, #tpu.memory_space<vmem>>
      %dma_start3A_41 = tpu.memref_slice %arg4[%mul3A_2] : memref<4096xi32, #tpu.memory_space<hbm>> -> memref<128xi32, #tpu.memory_space<hbm>>
      tpu.enqueue_dma source(%dma_start3A_41 : memref<128xi32, #tpu.memory_space<hbm>>) target(%dma_start3A_40 : memref<128xi32, #tpu.memory_space<vmem>>) target_semaphore(%run_scoped3A : memref<!tpu.dma_semaphore, #tpu.memory_space<semaphore_mem>>)
      %dma_wait3A_42 = arith.constant 0 : i32
      %dma_wait3A_43 = tpu.memref_slice %arg12[%dma_wait3A_42] : memref<8192xi32, #tpu.memory_space<vmem>> -> memref<128xi32, #tpu.memory_space<vmem>>
      %dma_wait3A_44 = tpu.memref_slice %arg4[%mul3A_2] : memref<4096xi32, #tpu.memory_space<hbm>> -> memref<128xi32, #tpu.memory_space<hbm>>
      %dma_wait3A_45 = arith.constant 0 : i32
      %dma_wait3A_46 = tpu.memref_slice %arg12[%dma_wait3A_45] : memref<8192xi32, #tpu.memory_space<vmem>> -> memref<128xi32, #tpu.memory_space<vmem>>
      %dma_wait3A_47 = tpu.memref_slice %arg4[%mul3A_2] : memref<4096xi32, #tpu.memory_space<hbm>> -> memref<128xi32, #tpu.memory_space<hbm>>
      tpu.wait_dma2 semaphore(%run_scoped3A : memref<!tpu.dma_semaphore, #tpu.memory_space<semaphore_mem>>) src(%dma_wait3A_47 : memref<128xi32, #tpu.memory_space<hbm>>) dst(%dma_wait3A_46 : memref<128xi32, #tpu.memory_space<vmem>>)
      tpu.yield
    }) : () -> ()
    %dma_start3A = arith.constant 0 : i32
    %dma_start3A_3 = tpu.memref_slice %arg12[%dma_start3A] : memref<8192xi32, #tpu.memory_space<vmem>> -> memref<128xi32, #tpu.memory_space<vmem>>
    %dma_start3A_4 = arith.constant 0 : i32
    %dma_start3A_5 = arith.constant 0 : i32
    %dma_start3A_6 = tpu.memref_slice %arg2[%dma_start3A_4, %dma_start3A_5] : memref<100000x64xf32, #tpu.memory_space<hbm>> -> memref<100000x64xf32, #tpu.memory_space<hbm>>
    tpu.enqueue_indirect_dma source(%dma_start3A_6 : memref<100000x64xf32, #tpu.memory_space<hbm>>) target(%arg13 : memref<128x64xf32, #tpu.memory_space<vmem>>) offsets(%dma_start3A_3 : memref<128xi32, #tpu.memory_space<vmem>>) semaphore(%arg21 : memref<!tpu.dma_semaphore, #tpu.memory_space<semaphore_mem>>)
    %dma_wait3A = arith.constant 0 : i32
    %dma_wait3A_7 = tpu.memref_slice %arg12[%dma_wait3A] : memref<8192xi32, #tpu.memory_space<vmem>> -> memref<128xi32, #tpu.memory_space<vmem>>
    %dma_wait3A_8 = arith.constant 0 : i32
    %dma_wait3A_9 = arith.constant 0 : i32
    %dma_wait3A_10 = tpu.memref_slice %arg2[%dma_wait3A_8, %dma_wait3A_9] : memref<100000x64xf32, #tpu.memory_space<hbm>> -> memref<100000x64xf32, #tpu.memory_space<hbm>>
    tpu.wait_indirect_dma semaphore(%arg21 : memref<!tpu.dma_semaphore, #tpu.memory_space<semaphore_mem>>) src(%dma_wait3A_10 : memref<100000x64xf32, #tpu.memory_space<hbm>>) dst(%arg13 : memref<128x64xf32, #tpu.memory_space<vmem>>)
    "tpu.region"() ({
      %run_scoped3A = tpu.sem_alloc : memref<!tpu.dma_semaphore, #tpu.memory_space<semaphore_mem>>
      %dma_start3A_36 = arith.constant 0 : i32
      %dma_start3A_37 = tpu.memref_slice %arg8[%mul3A_2, %dma_start3A_36] : memref<4096x64xf32, #tpu.memory_space<hbm>> -> memref<128x64xf32, #tpu.memory_space<hbm>>
      %dma_start3A_38 = arith.constant 0 : i32
      %dma_start3A_39 = tpu.memref_slice %arg8[%mul3A_2, %dma_start3A_38] : memref<4096x64xf32, #tpu.memory_space<hbm>> -> memref<128x64xf32, #tpu.memory_space<hbm>>
      tpu.enqueue_dma source(%arg13 : memref<128x64xf32, #tpu.memory_space<vmem>>) target(%dma_start3A_39 : memref<128x64xf32, #tpu.memory_space<hbm>>) target_semaphore(%run_scoped3A : memref<!tpu.dma_semaphore, #tpu.memory_space<semaphore_mem>>)
      %dma_wait3A_40 = arith.constant 0 : i32
      %dma_wait3A_41 = tpu.memref_slice %arg8[%mul3A_2, %dma_wait3A_40] : memref<4096x64xf32, #tpu.memory_space<hbm>> -> memref<128x64xf32, #tpu.memory_space<hbm>>
      %dma_wait3A_42 = arith.constant 0 : i32
      %dma_wait3A_43 = tpu.memref_slice %arg8[%mul3A_2, %dma_wait3A_42] : memref<4096x64xf32, #tpu.memory_space<hbm>> -> memref<128x64xf32, #tpu.memory_space<hbm>>
      tpu.wait_dma2 semaphore(%run_scoped3A : memref<!tpu.dma_semaphore, #tpu.memory_space<semaphore_mem>>) src(%arg13 : memref<128x64xf32, #tpu.memory_space<vmem>>) dst(%dma_wait3A_43 : memref<128x64xf32, #tpu.memory_space<hbm>>)
      tpu.yield
    }) : () -> ()
    %mul3A_11 = arith.constant 128 : i32
    %mul3A_12 = arith.muli %add3A, %mul3A_11 : i32
    "tpu.region"() ({
      %run_scoped3A = tpu.sem_alloc : memref<!tpu.dma_semaphore, #tpu.memory_space<semaphore_mem>>
      %dma_start3A_36 = arith.constant 0 : i32
      %dma_start3A_37 = tpu.memref_slice %arg12[%dma_start3A_36] : memref<8192xi32, #tpu.memory_space<vmem>> -> memref<128xi32, #tpu.memory_space<vmem>>
      %dma_start3A_38 = tpu.memref_slice %arg5[%mul3A_12] : memref<4096xi32, #tpu.memory_space<hbm>> -> memref<128xi32, #tpu.memory_space<hbm>>
      %dma_start3A_39 = arith.constant 0 : i32
      %dma_start3A_40 = tpu.memref_slice %arg12[%dma_start3A_39] : memref<8192xi32, #tpu.memory_space<vmem>> -> memref<128xi32, #tpu.memory_space<vmem>>
      %dma_start3A_41 = tpu.memref_slice %arg5[%mul3A_12] : memref<4096xi32, #tpu.memory_space<hbm>> -> memref<128xi32, #tpu.memory_space<hbm>>
      tpu.enqueue_dma source(%dma_start3A_41 : memref<128xi32, #tpu.memory_space<hbm>>) target(%dma_start3A_40 : memref<128xi32, #tpu.memory_space<vmem>>) target_semaphore(%run_scoped3A : memref<!tpu.dma_semaphore, #tpu.memory_space<semaphore_mem>>)
      %dma_wait3A_42 = arith.constant 0 : i32
      %dma_wait3A_43 = tpu.memref_slice %arg12[%dma_wait3A_42] : memref<8192xi32, #tpu.memory_space<vmem>> -> memref<128xi32, #tpu.memory_space<vmem>>
      %dma_wait3A_44 = tpu.memref_slice %arg5[%mul3A_12] : memref<4096xi32, #tpu.memory_space<hbm>> -> memref<128xi32, #tpu.memory_space<hbm>>
      %dma_wait3A_45 = arith.constant 0 : i32
      %dma_wait3A_46 = tpu.memref_slice %arg12[%dma_wait3A_45] : memref<8192xi32, #tpu.memory_space<vmem>> -> memref<128xi32, #tpu.memory_space<vmem>>
      %dma_wait3A_47 = tpu.memref_slice %arg5[%mul3A_12] : memref<4096xi32, #tpu.memory_space<hbm>> -> memref<128xi32, #tpu.memory_space<hbm>>
      tpu.wait_dma2 semaphore(%run_scoped3A : memref<!tpu.dma_semaphore, #tpu.memory_space<semaphore_mem>>) src(%dma_wait3A_47 : memref<128xi32, #tpu.memory_space<hbm>>) dst(%dma_wait3A_46 : memref<128xi32, #tpu.memory_space<vmem>>)
      tpu.yield
    }) : () -> ()
    %dma_start3A_13 = arith.constant 0 : i32
    %dma_start3A_14 = tpu.memref_slice %arg12[%dma_start3A_13] : memref<8192xi32, #tpu.memory_space<vmem>> -> memref<128xi32, #tpu.memory_space<vmem>>
    %dma_start3A_15 = arith.constant 0 : i32
    %dma_start3A_16 = arith.constant 0 : i32
    %dma_start3A_17 = tpu.memref_slice %arg3[%dma_start3A_15, %dma_start3A_16] : memref<100000x64xf32, #tpu.memory_space<hbm>> -> memref<100000x64xf32, #tpu.memory_space<hbm>>
    tpu.enqueue_indirect_dma source(%dma_start3A_17 : memref<100000x64xf32, #tpu.memory_space<hbm>>) target(%arg13 : memref<128x64xf32, #tpu.memory_space<vmem>>) offsets(%dma_start3A_14 : memref<128xi32, #tpu.memory_space<vmem>>) semaphore(%arg21 : memref<!tpu.dma_semaphore, #tpu.memory_space<semaphore_mem>>)
    %dma_wait3A_18 = arith.constant 0 : i32
    %dma_wait3A_19 = tpu.memref_slice %arg12[%dma_wait3A_18] : memref<8192xi32, #tpu.memory_space<vmem>> -> memref<128xi32, #tpu.memory_space<vmem>>
    %dma_wait3A_20 = arith.constant 0 : i32
    %dma_wait3A_21 = arith.constant 0 : i32
    %dma_wait3A_22 = tpu.memref_slice %arg3[%dma_wait3A_20, %dma_wait3A_21] : memref<100000x64xf32, #tpu.memory_space<hbm>> -> memref<100000x64xf32, #tpu.memory_space<hbm>>
    tpu.wait_indirect_dma semaphore(%arg21 : memref<!tpu.dma_semaphore, #tpu.memory_space<semaphore_mem>>) src(%dma_wait3A_22 : memref<100000x64xf32, #tpu.memory_space<hbm>>) dst(%arg13 : memref<128x64xf32, #tpu.memory_space<vmem>>)
    "tpu.region"() ({
      %run_scoped3A = tpu.sem_alloc : memref<!tpu.dma_semaphore, #tpu.memory_space<semaphore_mem>>
      %dma_start3A_36 = arith.constant 0 : i32
      %dma_start3A_37 = tpu.memref_slice %arg9[%mul3A_12, %dma_start3A_36] : memref<4096x64xf32, #tpu.memory_space<hbm>> -> memref<128x64xf32, #tpu.memory_space<hbm>>
      %dma_start3A_38 = arith.constant 0 : i32
      %dma_start3A_39 = tpu.memref_slice %arg9[%mul3A_12, %dma_start3A_38] : memref<4096x64xf32, #tpu.memory_space<hbm>> -> memref<128x64xf32, #tpu.memory_space<hbm>>
      tpu.enqueue_dma source(%arg13 : memref<128x64xf32, #tpu.memory_space<vmem>>) target(%dma_start3A_39 : memref<128x64xf32, #tpu.memory_space<hbm>>) target_semaphore(%run_scoped3A : memref<!tpu.dma_semaphore, #tpu.memory_space<semaphore_mem>>)
      %dma_wait3A_40 = arith.constant 0 : i32
      %dma_wait3A_41 = tpu.memref_slice %arg9[%mul3A_12, %dma_wait3A_40] : memref<4096x64xf32, #tpu.memory_space<hbm>> -> memref<128x64xf32, #tpu.memory_space<hbm>>
      %dma_wait3A_42 = arith.constant 0 : i32
      %dma_wait3A_43 = tpu.memref_slice %arg9[%mul3A_12, %dma_wait3A_42] : memref<4096x64xf32, #tpu.memory_space<hbm>> -> memref<128x64xf32, #tpu.memory_space<hbm>>
      tpu.wait_dma2 semaphore(%run_scoped3A : memref<!tpu.dma_semaphore, #tpu.memory_space<semaphore_mem>>) src(%arg13 : memref<128x64xf32, #tpu.memory_space<vmem>>) dst(%dma_wait3A_43 : memref<128x64xf32, #tpu.memory_space<hbm>>)
      tpu.yield
    }) : () -> ()
    %mul3A_23 = arith.constant 8192 : i32
    %mul3A_24 = arith.muli %add3A, %mul3A_23 : i32
    "tpu.region"() ({
      %run_scoped3A = tpu.sem_alloc : memref<!tpu.dma_semaphore, #tpu.memory_space<semaphore_mem>>
      %dma_start3A_36 = arith.constant 0 : i32
      %dma_start3A_37 = tpu.memref_slice %arg12[%dma_start3A_36] : memref<8192xi32, #tpu.memory_space<vmem>> -> memref<8192xi32, #tpu.memory_space<vmem>>
      %dma_start3A_38 = tpu.memref_slice %arg6[%mul3A_24] : memref<262144xi32, #tpu.memory_space<hbm>> -> memref<8192xi32, #tpu.memory_space<hbm>>
      %dma_start3A_39 = arith.constant 0 : i32
      %dma_start3A_40 = tpu.memref_slice %arg12[%dma_start3A_39] : memref<8192xi32, #tpu.memory_space<vmem>> -> memref<8192xi32, #tpu.memory_space<vmem>>
      %dma_start3A_41 = tpu.memref_slice %arg6[%mul3A_24] : memref<262144xi32, #tpu.memory_space<hbm>> -> memref<8192xi32, #tpu.memory_space<hbm>>
      tpu.enqueue_dma source(%dma_start3A_41 : memref<8192xi32, #tpu.memory_space<hbm>>) target(%dma_start3A_40 : memref<8192xi32, #tpu.memory_space<vmem>>) target_semaphore(%run_scoped3A : memref<!tpu.dma_semaphore, #tpu.memory_space<semaphore_mem>>)
      %dma_wait3A_42 = arith.constant 0 : i32
      %dma_wait3A_43 = tpu.memref_slice %arg12[%dma_wait3A_42] : memref<8192xi32, #tpu.memory_space<vmem>> -> memref<8192xi32, #tpu.memory_space<vmem>>
      %dma_wait3A_44 = tpu.memref_slice %arg6[%mul3A_24] : memref<262144xi32, #tpu.memory_space<hbm>> -> memref<8192xi32, #tpu.memory_space<hbm>>
      %dma_wait3A_45 = arith.constant 0 : i32
      %dma_wait3A_46 = tpu.memref_slice %arg12[%dma_wait3A_45] : memref<8192xi32, #tpu.memory_space<vmem>> -> memref<8192xi32, #tpu.memory_space<vmem>>
      %dma_wait3A_47 = tpu.memref_slice %arg6[%mul3A_24] : memref<262144xi32, #tpu.memory_space<hbm>> -> memref<8192xi32, #tpu.memory_space<hbm>>
      tpu.wait_dma2 semaphore(%run_scoped3A : memref<!tpu.dma_semaphore, #tpu.memory_space<semaphore_mem>>) src(%dma_wait3A_47 : memref<8192xi32, #tpu.memory_space<hbm>>) dst(%dma_wait3A_46 : memref<8192xi32, #tpu.memory_space<vmem>>)
      tpu.yield
    }) : () -> ()
    %scan3A = arith.constant 0 : i32
    %scan3A_25 = arith.constant 8 : i32
    %scan3A_26 = arith.addi %scan3A, %scan3A_25 : i32
    %scan3A_27 = arith.constant 1 : i32
    scf.for %scan3A_36 = %scan3A to %scan3A_26 step %scan3A_27  : i32 {
      %mul3A_37 = arith.constant 1 : i32
      %mul3A_38 = arith.muli %scan3A_36, %mul3A_37 : i32
      %add3A_39 = arith.constant 0 : i32
      %add3A_40 = arith.addi %add3A_39, %mul3A_38 : i32
      %mul3A_41 = arith.constant 8 : i32
      %mul3A_42 = arith.muli %mul3A_41, %add3A_40 : i32
      %add3A_43 = arith.constant 0 : i32
      %add3A_44 = arith.addi %mul3A_42, %add3A_43 : i32
      %mul3A_45 = arith.constant 128 : i32
      %mul3A_46 = arith.muli %add3A_44, %mul3A_45 : i32
      %dma_start3A_47 = tpu.memref_slice %arg12[%mul3A_46] : memref<8192xi32, #tpu.memory_space<vmem>> -> memref<128xi32, #tpu.memory_space<vmem>>
      %dma_start3A_48 = arith.constant 0 : i32
      %dma_start3A_49 = arith.constant 0 : i32
      %dma_start3A_50 = tpu.memref_slice %arg3[%dma_start3A_48, %dma_start3A_49] : memref<100000x64xf32, #tpu.memory_space<hbm>> -> memref<100000x64xf32, #tpu.memory_space<hbm>>
      tpu.enqueue_indirect_dma source(%dma_start3A_50 : memref<100000x64xf32, #tpu.memory_space<hbm>>) target(%arg13 : memref<128x64xf32, #tpu.memory_space<vmem>>) offsets(%dma_start3A_47 : memref<128xi32, #tpu.memory_space<vmem>>) semaphore(%arg21 : memref<!tpu.dma_semaphore, #tpu.memory_space<semaphore_mem>>)
      %mul3A_51 = arith.constant 8 : i32
      %mul3A_52 = arith.muli %mul3A_51, %add3A_40 : i32
      %add3A_53 = arith.constant 1 : i32
      %add3A_54 = arith.addi %mul3A_52, %add3A_53 : i32
      %mul3A_55 = arith.constant 128 : i32
      %mul3A_56 = arith.muli %add3A_54, %mul3A_55 : i32
      %dma_start3A_57 = tpu.memref_slice %arg12[%mul3A_56] : memref<8192xi32, #tpu.memory_space<vmem>> -> memref<128xi32, #tpu.memory_space<vmem>>
      %dma_start3A_58 = arith.constant 0 : i32
      %dma_start3A_59 = arith.constant 0 : i32
      %dma_start3A_60 = tpu.memref_slice %arg3[%dma_start3A_58, %dma_start3A_59] : memref<100000x64xf32, #tpu.memory_space<hbm>> -> memref<100000x64xf32, #tpu.memory_space<hbm>>
      tpu.enqueue_indirect_dma source(%dma_start3A_60 : memref<100000x64xf32, #tpu.memory_space<hbm>>) target(%arg14 : memref<128x64xf32, #tpu.memory_space<vmem>>) offsets(%dma_start3A_57 : memref<128xi32, #tpu.memory_space<vmem>>) semaphore(%arg22 : memref<!tpu.dma_semaphore, #tpu.memory_space<semaphore_mem>>)
      %mul3A_61 = arith.constant 8 : i32
      %mul3A_62 = arith.muli %mul3A_61, %add3A_40 : i32
      %add3A_63 = arith.constant 2 : i32
      %add3A_64 = arith.addi %mul3A_62, %add3A_63 : i32
      %mul3A_65 = arith.constant 128 : i32
      %mul3A_66 = arith.muli %add3A_64, %mul3A_65 : i32
      %dma_start3A_67 = tpu.memref_slice %arg12[%mul3A_66] : memref<8192xi32, #tpu.memory_space<vmem>> -> memref<128xi32, #tpu.memory_space<vmem>>
      %dma_start3A_68 = arith.constant 0 : i32
      %dma_start3A_69 = arith.constant 0 : i32
      %dma_start3A_70 = tpu.memref_slice %arg3[%dma_start3A_68, %dma_start3A_69] : memref<100000x64xf32, #tpu.memory_space<hbm>> -> memref<100000x64xf32, #tpu.memory_space<hbm>>
      tpu.enqueue_indirect_dma source(%dma_start3A_70 : memref<100000x64xf32, #tpu.memory_space<hbm>>) target(%arg15 : memref<128x64xf32, #tpu.memory_space<vmem>>) offsets(%dma_start3A_67 : memref<128xi32, #tpu.memory_space<vmem>>) semaphore(%arg23 : memref<!tpu.dma_semaphore, #tpu.memory_space<semaphore_mem>>)
      %mul3A_71 = arith.constant 8 : i32
      %mul3A_72 = arith.muli %mul3A_71, %add3A_40 : i32
      %add3A_73 = arith.constant 3 : i32
      %add3A_74 = arith.addi %mul3A_72, %add3A_73 : i32
      %mul3A_75 = arith.constant 128 : i32
      %mul3A_76 = arith.muli %add3A_74, %mul3A_75 : i32
      %dma_start3A_77 = tpu.memref_slice %arg12[%mul3A_76] : memref<8192xi32, #tpu.memory_space<vmem>> -> memref<128xi32, #tpu.memory_space<vmem>>
      %dma_start3A_78 = arith.constant 0 : i32
      %dma_start3A_79 = arith.constant 0 : i32
      %dma_start3A_80 = tpu.memref_slice %arg3[%dma_start3A_78, %dma_start3A_79] : memref<100000x64xf32, #tpu.memory_space<hbm>> -> memref<100000x64xf32, #tpu.memory_space<hbm>>
      tpu.enqueue_indirect_dma source(%dma_start3A_80 : memref<100000x64xf32, #tpu.memory_space<hbm>>) target(%arg16 : memref<128x64xf32, #tpu.memory_space<vmem>>) offsets(%dma_start3A_77 : memref<128xi32, #tpu.memory_space<vmem>>) semaphore(%arg24 : memref<!tpu.dma_semaphore, #tpu.memory_space<semaphore_mem>>)
      %mul3A_81 = arith.constant 8 : i32
      %mul3A_82 = arith.muli %mul3A_81, %add3A_40 : i32
      %add3A_83 = arith.constant 4 : i32
      %add3A_84 = arith.addi %mul3A_82, %add3A_83 : i32
      %mul3A_85 = arith.constant 128 : i32
      %mul3A_86 = arith.muli %add3A_84, %mul3A_85 : i32
      %dma_start3A_87 = tpu.memref_slice %arg12[%mul3A_86] : memref<8192xi32, #tpu.memory_space<vmem>> -> memref<128xi32, #tpu.memory_space<vmem>>
      %dma_start3A_88 = arith.constant 0 : i32
      %dma_start3A_89 = arith.constant 0 : i32
      %dma_start3A_90 = tpu.memref_slice %arg3[%dma_start3A_88, %dma_start3A_89] : memref<100000x64xf32, #tpu.memory_space<hbm>> -> memref<100000x64xf32, #tpu.memory_space<hbm>>
      tpu.enqueue_indirect_dma source(%dma_start3A_90 : memref<100000x64xf32, #tpu.memory_space<hbm>>) target(%arg17 : memref<128x64xf32, #tpu.memory_space<vmem>>) offsets(%dma_start3A_87 : memref<128xi32, #tpu.memory_space<vmem>>) semaphore(%arg25 : memref<!tpu.dma_semaphore, #tpu.memory_space<semaphore_mem>>)
      %mul3A_91 = arith.constant 8 : i32
      %mul3A_92 = arith.muli %mul3A_91, %add3A_40 : i32
      %add3A_93 = arith.constant 5 : i32
      %add3A_94 = arith.addi %mul3A_92, %add3A_93 : i32
      %mul3A_95 = arith.constant 128 : i32
      %mul3A_96 = arith.muli %add3A_94, %mul3A_95 : i32
      %dma_start3A_97 = tpu.memref_slice %arg12[%mul3A_96] : memref<8192xi32, #tpu.memory_space<vmem>> -> memref<128xi32, #tpu.memory_space<vmem>>
      %dma_start3A_98 = arith.constant 0 : i32
      %dma_start3A_99 = arith.constant 0 : i32
      %dma_start3A_100 = tpu.memref_slice %arg3[%dma_start3A_98, %dma_start3A_99] : memref<100000x64xf32, #tpu.memory_space<hbm>> -> memref<100000x64xf32, #tpu.memory_space<hbm>>
      tpu.enqueue_indirect_dma source(%dma_start3A_100 : memref<100000x64xf32, #tpu.memory_space<hbm>>) target(%arg18 : memref<128x64xf32, #tpu.memory_space<vmem>>) offsets(%dma_start3A_97 : memref<128xi32, #tpu.memory_space<vmem>>) semaphore(%arg26 : memref<!tpu.dma_semaphore, #tpu.memory_space<semaphore_mem>>)
      %mul3A_101 = arith.constant 8 : i32
      %mul3A_102 = arith.muli %mul3A_101, %add3A_40 : i32
      %add3A_103 = arith.constant 6 : i32
      %add3A_104 = arith.addi %mul3A_102, %add3A_103 : i32
      %mul3A_105 = arith.constant 128 : i32
      %mul3A_106 = arith.muli %add3A_104, %mul3A_105 : i32
      %dma_start3A_107 = tpu.memref_slice %arg12[%mul3A_106] : memref<8192xi32, #tpu.memory_space<vmem>> -> memref<128xi32, #tpu.memory_space<vmem>>
      %dma_start3A_108 = arith.constant 0 : i32
      %dma_start3A_109 = arith.constant 0 : i32
      %dma_start3A_110 = tpu.memref_slice %arg3[%dma_start3A_108, %dma_start3A_109] : memref<100000x64xf32, #tpu.memory_space<hbm>> -> memref<100000x64xf32, #tpu.memory_space<hbm>>
      tpu.enqueue_indirect_dma source(%dma_start3A_110 : memref<100000x64xf32, #tpu.memory_space<hbm>>) target(%arg19 : memref<128x64xf32, #tpu.memory_space<vmem>>) offsets(%dma_start3A_107 : memref<128xi32, #tpu.memory_space<vmem>>) semaphore(%arg27 : memref<!tpu.dma_semaphore, #tpu.memory_space<semaphore_mem>>)
      %mul3A_111 = arith.constant 8 : i32
      %mul3A_112 = arith.muli %mul3A_111, %add3A_40 : i32
      %add3A_113 = arith.constant 7 : i32
      %add3A_114 = arith.addi %mul3A_112, %add3A_113 : i32
      %mul3A_115 = arith.constant 128 : i32
      %mul3A_116 = arith.muli %add3A_114, %mul3A_115 : i32
      %dma_start3A_117 = tpu.memref_slice %arg12[%mul3A_116] : memref<8192xi32, #tpu.memory_space<vmem>> -> memref<128xi32, #tpu.memory_space<vmem>>
      %dma_start3A_118 = arith.constant 0 : i32
      %dma_start3A_119 = arith.constant 0 : i32
      %dma_start3A_120 = tpu.memref_slice %arg3[%dma_start3A_118, %dma_start3A_119] : memref<100000x64xf32, #tpu.memory_space<hbm>> -> memref<100000x64xf32, #tpu.memory_space<hbm>>
      tpu.enqueue_indirect_dma source(%dma_start3A_120 : memref<100000x64xf32, #tpu.memory_space<hbm>>) target(%arg20 : memref<128x64xf32, #tpu.memory_space<vmem>>) offsets(%dma_start3A_117 : memref<128xi32, #tpu.memory_space<vmem>>) semaphore(%arg28 : memref<!tpu.dma_semaphore, #tpu.memory_space<semaphore_mem>>)
      %mul3A_121 = arith.constant 8 : i32
      %mul3A_122 = arith.muli %mul3A_121, %add3A_40 : i32
      %add3A_123 = arith.constant 0 : i32
      %add3A_124 = arith.addi %mul3A_122, %add3A_123 : i32
      %mul3A_125 = arith.constant 128 : i32
      %mul3A_126 = arith.muli %add3A_124, %mul3A_125 : i32
      %add3A_127 = arith.addi %mul3A_24, %mul3A_126 : i32
      %dma_wait3A_128 = tpu.memref_slice %arg12[%mul3A_46] : memref<8192xi32, #tpu.memory_space<vmem>> -> memref<128xi32, #tpu.memory_space<vmem>>
      %dma_wait3A_129 = arith.constant 0 : i32
      %dma_wait3A_130 = arith.constant 0 : i32
      %dma_wait3A_131 = tpu.memref_slice %arg3[%dma_wait3A_129, %dma_wait3A_130] : memref<100000x64xf32, #tpu.memory_space<hbm>> -> memref<100000x64xf32, #tpu.memory_space<hbm>>
      tpu.wait_indirect_dma semaphore(%arg21 : memref<!tpu.dma_semaphore, #tpu.memory_space<semaphore_mem>>) src(%dma_wait3A_131 : memref<100000x64xf32, #tpu.memory_space<hbm>>) dst(%arg13 : memref<128x64xf32, #tpu.memory_space<vmem>>)
      %dma_start3A_132 = arith.constant 0 : i32
      %dma_start3A_133 = tpu.memref_slice %arg10[%add3A_127, %dma_start3A_132] : memref<262144x64xf32, #tpu.memory_space<hbm>> -> memref<128x64xf32, #tpu.memory_space<hbm>>
      %dma_start3A_134 = arith.constant 0 : i32
      %dma_start3A_135 = tpu.memref_slice %arg10[%add3A_127, %dma_start3A_134] : memref<262144x64xf32, #tpu.memory_space<hbm>> -> memref<128x64xf32, #tpu.memory_space<hbm>>
      tpu.enqueue_dma source(%arg13 : memref<128x64xf32, #tpu.memory_space<vmem>>) target(%dma_start3A_135 : memref<128x64xf32, #tpu.memory_space<hbm>>) target_semaphore(%arg29 : memref<!tpu.dma_semaphore, #tpu.memory_space<semaphore_mem>>)
      %mul3A_136 = arith.constant 8 : i32
      %mul3A_137 = arith.muli %mul3A_136, %add3A_40 : i32
      %add3A_138 = arith.constant 1 : i32
      %add3A_139 = arith.addi %mul3A_137, %add3A_138 : i32
      %mul3A_140 = arith.constant 128 : i32
      %mul3A_141 = arith.muli %add3A_139, %mul3A_140 : i32
      %add3A_142 = arith.addi %mul3A_24, %mul3A_141 : i32
      %dma_wait3A_143 = tpu.memref_slice %arg12[%mul3A_56] : memref<8192xi32, #tpu.memory_space<vmem>> -> memref<128xi32, #tpu.memory_space<vmem>>
      %dma_wait3A_144 = arith.constant 0 : i32
      %dma_wait3A_145 = arith.constant 0 : i32
      %dma_wait3A_146 = tpu.memref_slice %arg3[%dma_wait3A_144, %dma_wait3A_145] : memref<100000x64xf32, #tpu.memory_space<hbm>> -> memref<100000x64xf32, #tpu.memory_space<hbm>>
      tpu.wait_indirect_dma semaphore(%arg22 : memref<!tpu.dma_semaphore, #tpu.memory_space<semaphore_mem>>) src(%dma_wait3A_146 : memref<100000x64xf32, #tpu.memory_space<hbm>>) dst(%arg14 : memref<128x64xf32, #tpu.memory_space<vmem>>)
      %dma_start3A_147 = arith.constant 0 : i32
      %dma_start3A_148 = tpu.memref_slice %arg10[%add3A_142, %dma_start3A_147] : memref<262144x64xf32, #tpu.memory_space<hbm>> -> memref<128x64xf32, #tpu.memory_space<hbm>>
      %dma_start3A_149 = arith.constant 0 : i32
      %dma_start3A_150 = tpu.memref_slice %arg10[%add3A_142, %dma_start3A_149] : memref<262144x64xf32, #tpu.memory_space<hbm>> -> memref<128x64xf32, #tpu.memory_space<hbm>>
      tpu.enqueue_dma source(%arg14 : memref<128x64xf32, #tpu.memory_space<vmem>>) target(%dma_start3A_150 : memref<128x64xf32, #tpu.memory_space<hbm>>) target_semaphore(%arg30 : memref<!tpu.dma_semaphore, #tpu.memory_space<semaphore_mem>>)
      %mul3A_151 = arith.constant 8 : i32
      %mul3A_152 = arith.muli %mul3A_151, %add3A_40 : i32
      %add3A_153 = arith.constant 2 : i32
      %add3A_154 = arith.addi %mul3A_152, %add3A_153 : i32
      %mul3A_155 = arith.constant 128 : i32
      %mul3A_156 = arith.muli %add3A_154, %mul3A_155 : i32
      %add3A_157 = arith.addi %mul3A_24, %mul3A_156 : i32
      %dma_wait3A_158 = tpu.memref_slice %arg12[%mul3A_66] : memref<8192xi32, #tpu.memory_space<vmem>> -> memref<128xi32, #tpu.memory_space<vmem>>
      %dma_wait3A_159 = arith.constant 0 : i32
      %dma_wait3A_160 = arith.constant 0 : i32
      %dma_wait3A_161 = tpu.memref_slice %arg3[%dma_wait3A_159, %dma_wait3A_160] : memref<100000x64xf32, #tpu.memory_space<hbm>> -> memref<100000x64xf32, #tpu.memory_space<hbm>>
      tpu.wait_indirect_dma semaphore(%arg23 : memref<!tpu.dma_semaphore, #tpu.memory_space<semaphore_mem>>) src(%dma_wait3A_161 : memref<100000x64xf32, #tpu.memory_space<hbm>>) dst(%arg15 : memref<128x64xf32, #tpu.memory_space<vmem>>)
      %dma_start3A_162 = arith.constant 0 : i32
      %dma_start3A_163 = tpu.memref_slice %arg10[%add3A_157, %dma_start3A_162] : memref<262144x64xf32, #tpu.memory_space<hbm>> -> memref<128x64xf32, #tpu.memory_space<hbm>>
      %dma_start3A_164 = arith.constant 0 : i32
      %dma_start3A_165 = tpu.memref_slice %arg10[%add3A_157, %dma_start3A_164] : memref<262144x64xf32, #tpu.memory_space<hbm>> -> memref<128x64xf32, #tpu.memory_space<hbm>>
      tpu.enqueue_dma source(%arg15 : memref<128x64xf32, #tpu.memory_space<vmem>>) target(%dma_start3A_165 : memref<128x64xf32, #tpu.memory_space<hbm>>) target_semaphore(%arg31 : memref<!tpu.dma_semaphore, #tpu.memory_space<semaphore_mem>>)
      %mul3A_166 = arith.constant 8 : i32
      %mul3A_167 = arith.muli %mul3A_166, %add3A_40 : i32
      %add3A_168 = arith.constant 3 : i32
      %add3A_169 = arith.addi %mul3A_167, %add3A_168 : i32
      %mul3A_170 = arith.constant 128 : i32
      %mul3A_171 = arith.muli %add3A_169, %mul3A_170 : i32
      %add3A_172 = arith.addi %mul3A_24, %mul3A_171 : i32
      %dma_wait3A_173 = tpu.memref_slice %arg12[%mul3A_76] : memref<8192xi32, #tpu.memory_space<vmem>> -> memref<128xi32, #tpu.memory_space<vmem>>
      %dma_wait3A_174 = arith.constant 0 : i32
      %dma_wait3A_175 = arith.constant 0 : i32
      %dma_wait3A_176 = tpu.memref_slice %arg3[%dma_wait3A_174, %dma_wait3A_175] : memref<100000x64xf32, #tpu.memory_space<hbm>> -> memref<100000x64xf32, #tpu.memory_space<hbm>>
      tpu.wait_indirect_dma semaphore(%arg24 : memref<!tpu.dma_semaphore, #tpu.memory_space<semaphore_mem>>) src(%dma_wait3A_176 : memref<100000x64xf32, #tpu.memory_space<hbm>>) dst(%arg16 : memref<128x64xf32, #tpu.memory_space<vmem>>)
      %dma_start3A_177 = arith.constant 0 : i32
      %dma_start3A_178 = tpu.memref_slice %arg10[%add3A_172, %dma_start3A_177] : memref<262144x64xf32, #tpu.memory_space<hbm>> -> memref<128x64xf32, #tpu.memory_space<hbm>>
      %dma_start3A_179 = arith.constant 0 : i32
      %dma_start3A_180 = tpu.memref_slice %arg10[%add3A_172, %dma_start3A_179] : memref<262144x64xf32, #tpu.memory_space<hbm>> -> memref<128x64xf32, #tpu.memory_space<hbm>>
      tpu.enqueue_dma source(%arg16 : memref<128x64xf32, #tpu.memory_space<vmem>>) target(%dma_start3A_180 : memref<128x64xf32, #tpu.memory_space<hbm>>) target_semaphore(%arg32 : memref<!tpu.dma_semaphore, #tpu.memory_space<semaphore_mem>>)
      %mul3A_181 = arith.constant 8 : i32
      %mul3A_182 = arith.muli %mul3A_181, %add3A_40 : i32
      %add3A_183 = arith.constant 4 : i32
      %add3A_184 = arith.addi %mul3A_182, %add3A_183 : i32
      %mul3A_185 = arith.constant 128 : i32
      %mul3A_186 = arith.muli %add3A_184, %mul3A_185 : i32
      %add3A_187 = arith.addi %mul3A_24, %mul3A_186 : i32
      %dma_wait3A_188 = tpu.memref_slice %arg12[%mul3A_86] : memref<8192xi32, #tpu.memory_space<vmem>> -> memref<128xi32, #tpu.memory_space<vmem>>
      %dma_wait3A_189 = arith.constant 0 : i32
      %dma_wait3A_190 = arith.constant 0 : i32
      %dma_wait3A_191 = tpu.memref_slice %arg3[%dma_wait3A_189, %dma_wait3A_190] : memref<100000x64xf32, #tpu.memory_space<hbm>> -> memref<100000x64xf32, #tpu.memory_space<hbm>>
      tpu.wait_indirect_dma semaphore(%arg25 : memref<!tpu.dma_semaphore, #tpu.memory_space<semaphore_mem>>) src(%dma_wait3A_191 : memref<100000x64xf32, #tpu.memory_space<hbm>>) dst(%arg17 : memref<128x64xf32, #tpu.memory_space<vmem>>)
      %dma_start3A_192 = arith.constant 0 : i32
      %dma_start3A_193 = tpu.memref_slice %arg10[%add3A_187, %dma_start3A_192] : memref<262144x64xf32, #tpu.memory_space<hbm>> -> memref<128x64xf32, #tpu.memory_space<hbm>>
      %dma_start3A_194 = arith.constant 0 : i32
      %dma_start3A_195 = tpu.memref_slice %arg10[%add3A_187, %dma_start3A_194] : memref<262144x64xf32, #tpu.memory_space<hbm>> -> memref<128x64xf32, #tpu.memory_space<hbm>>
      tpu.enqueue_dma source(%arg17 : memref<128x64xf32, #tpu.memory_space<vmem>>) target(%dma_start3A_195 : memref<128x64xf32, #tpu.memory_space<hbm>>) target_semaphore(%arg33 : memref<!tpu.dma_semaphore, #tpu.memory_space<semaphore_mem>>)
      %mul3A_196 = arith.constant 8 : i32
      %mul3A_197 = arith.muli %mul3A_196, %add3A_40 : i32
      %add3A_198 = arith.constant 5 : i32
      %add3A_199 = arith.addi %mul3A_197, %add3A_198 : i32
      %mul3A_200 = arith.constant 128 : i32
      %mul3A_201 = arith.muli %add3A_199, %mul3A_200 : i32
      %add3A_202 = arith.addi %mul3A_24, %mul3A_201 : i32
      %dma_wait3A_203 = tpu.memref_slice %arg12[%mul3A_96] : memref<8192xi32, #tpu.memory_space<vmem>> -> memref<128xi32, #tpu.memory_space<vmem>>
      %dma_wait3A_204 = arith.constant 0 : i32
      %dma_wait3A_205 = arith.constant 0 : i32
      %dma_wait3A_206 = tpu.memref_slice %arg3[%dma_wait3A_204, %dma_wait3A_205] : memref<100000x64xf32, #tpu.memory_space<hbm>> -> memref<100000x64xf32, #tpu.memory_space<hbm>>
      tpu.wait_indirect_dma semaphore(%arg26 : memref<!tpu.dma_semaphore, #tpu.memory_space<semaphore_mem>>) src(%dma_wait3A_206 : memref<100000x64xf32, #tpu.memory_space<hbm>>) dst(%arg18 : memref<128x64xf32, #tpu.memory_space<vmem>>)
      %dma_start3A_207 = arith.constant 0 : i32
      %dma_start3A_208 = tpu.memref_slice %arg10[%add3A_202, %dma_start3A_207] : memref<262144x64xf32, #tpu.memory_space<hbm>> -> memref<128x64xf32, #tpu.memory_space<hbm>>
      %dma_start3A_209 = arith.constant 0 : i32
      %dma_start3A_210 = tpu.memref_slice %arg10[%add3A_202, %dma_start3A_209] : memref<262144x64xf32, #tpu.memory_space<hbm>> -> memref<128x64xf32, #tpu.memory_space<hbm>>
      tpu.enqueue_dma source(%arg18 : memref<128x64xf32, #tpu.memory_space<vmem>>) target(%dma_start3A_210 : memref<128x64xf32, #tpu.memory_space<hbm>>) target_semaphore(%arg34 : memref<!tpu.dma_semaphore, #tpu.memory_space<semaphore_mem>>)
      %mul3A_211 = arith.constant 8 : i32
      %mul3A_212 = arith.muli %mul3A_211, %add3A_40 : i32
      %add3A_213 = arith.constant 6 : i32
      %add3A_214 = arith.addi %mul3A_212, %add3A_213 : i32
      %mul3A_215 = arith.constant 128 : i32
      %mul3A_216 = arith.muli %add3A_214, %mul3A_215 : i32
      %add3A_217 = arith.addi %mul3A_24, %mul3A_216 : i32
      %dma_wait3A_218 = tpu.memref_slice %arg12[%mul3A_106] : memref<8192xi32, #tpu.memory_space<vmem>> -> memref<128xi32, #tpu.memory_space<vmem>>
      %dma_wait3A_219 = arith.constant 0 : i32
      %dma_wait3A_220 = arith.constant 0 : i32
      %dma_wait3A_221 = tpu.memref_slice %arg3[%dma_wait3A_219, %dma_wait3A_220] : memref<100000x64xf32, #tpu.memory_space<hbm>> -> memref<100000x64xf32, #tpu.memory_space<hbm>>
      tpu.wait_indirect_dma semaphore(%arg27 : memref<!tpu.dma_semaphore, #tpu.memory_space<semaphore_mem>>) src(%dma_wait3A_221 : memref<100000x64xf32, #tpu.memory_space<hbm>>) dst(%arg19 : memref<128x64xf32, #tpu.memory_space<vmem>>)
      %dma_start3A_222 = arith.constant 0 : i32
      %dma_start3A_223 = tpu.memref_slice %arg10[%add3A_217, %dma_start3A_222] : memref<262144x64xf32, #tpu.memory_space<hbm>> -> memref<128x64xf32, #tpu.memory_space<hbm>>
      %dma_start3A_224 = arith.constant 0 : i32
      %dma_start3A_225 = tpu.memref_slice %arg10[%add3A_217, %dma_start3A_224] : memref<262144x64xf32, #tpu.memory_space<hbm>> -> memref<128x64xf32, #tpu.memory_space<hbm>>
      tpu.enqueue_dma source(%arg19 : memref<128x64xf32, #tpu.memory_space<vmem>>) target(%dma_start3A_225 : memref<128x64xf32, #tpu.memory_space<hbm>>) target_semaphore(%arg35 : memref<!tpu.dma_semaphore, #tpu.memory_space<semaphore_mem>>)
      %mul3A_226 = arith.constant 8 : i32
      %mul3A_227 = arith.muli %mul3A_226, %add3A_40 : i32
      %add3A_228 = arith.constant 7 : i32
      %add3A_229 = arith.addi %mul3A_227, %add3A_228 : i32
      %mul3A_230 = arith.constant 128 : i32
      %mul3A_231 = arith.muli %add3A_229, %mul3A_230 : i32
      %add3A_232 = arith.addi %mul3A_24, %mul3A_231 : i32
      %dma_wait3A_233 = tpu.memref_slice %arg12[%mul3A_116] : memref<8192xi32, #tpu.memory_space<vmem>> -> memref<128xi32, #tpu.memory_space<vmem>>
      %dma_wait3A_234 = arith.constant 0 : i32
      %dma_wait3A_235 = arith.constant 0 : i32
      %dma_wait3A_236 = tpu.memref_slice %arg3[%dma_wait3A_234, %dma_wait3A_235] : memref<100000x64xf32, #tpu.memory_space<hbm>> -> memref<100000x64xf32, #tpu.memory_space<hbm>>
      tpu.wait_indirect_dma semaphore(%arg28 : memref<!tpu.dma_semaphore, #tpu.memory_space<semaphore_mem>>) src(%dma_wait3A_236 : memref<100000x64xf32, #tpu.memory_space<hbm>>) dst(%arg20 : memref<128x64xf32, #tpu.memory_space<vmem>>)
      %dma_start3A_237 = arith.constant 0 : i32
      %dma_start3A_238 = tpu.memref_slice %arg10[%add3A_232, %dma_start3A_237] : memref<262144x64xf32, #tpu.memory_space<hbm>> -> memref<128x64xf32, #tpu.memory_space<hbm>>
      %dma_start3A_239 = arith.constant 0 : i32
      %dma_start3A_240 = tpu.memref_slice %arg10[%add3A_232, %dma_start3A_239] : memref<262144x64xf32, #tpu.memory_space<hbm>> -> memref<128x64xf32, #tpu.memory_space<hbm>>
      tpu.enqueue_dma source(%arg20 : memref<128x64xf32, #tpu.memory_space<vmem>>) target(%dma_start3A_240 : memref<128x64xf32, #tpu.memory_space<hbm>>) target_semaphore(%arg36 : memref<!tpu.dma_semaphore, #tpu.memory_space<semaphore_mem>>)
      %dma_wait3A_241 = arith.constant 0 : i32
      %dma_wait3A_242 = tpu.memref_slice %arg10[%add3A_127, %dma_wait3A_241] : memref<262144x64xf32, #tpu.memory_space<hbm>> -> memref<128x64xf32, #tpu.memory_space<hbm>>
      %dma_wait3A_243 = arith.constant 0 : i32
      %dma_wait3A_244 = tpu.memref_slice %arg10[%add3A_127, %dma_wait3A_243] : memref<262144x64xf32, #tpu.memory_space<hbm>> -> memref<128x64xf32, #tpu.memory_space<hbm>>
      tpu.wait_dma2 semaphore(%arg29 : memref<!tpu.dma_semaphore, #tpu.memory_space<semaphore_mem>>) src(%arg13 : memref<128x64xf32, #tpu.memory_space<vmem>>) dst(%dma_wait3A_244 : memref<128x64xf32, #tpu.memory_space<hbm>>)
      %dma_wait3A_245 = arith.constant 0 : i32
      %dma_wait3A_246 = tpu.memref_slice %arg10[%add3A_142, %dma_wait3A_245] : memref<262144x64xf32, #tpu.memory_space<hbm>> -> memref<128x64xf32, #tpu.memory_space<hbm>>
      %dma_wait3A_247 = arith.constant 0 : i32
      %dma_wait3A_248 = tpu.memref_slice %arg10[%add3A_142, %dma_wait3A_247] : memref<262144x64xf32, #tpu.memory_space<hbm>> -> memref<128x64xf32, #tpu.memory_space<hbm>>
      tpu.wait_dma2 semaphore(%arg30 : memref<!tpu.dma_semaphore, #tpu.memory_space<semaphore_mem>>) src(%arg14 : memref<128x64xf32, #tpu.memory_space<vmem>>) dst(%dma_wait3A_248 : memref<128x64xf32, #tpu.memory_space<hbm>>)
      %dma_wait3A_249 = arith.constant 0 : i32
      %dma_wait3A_250 = tpu.memref_slice %arg10[%add3A_157, %dma_wait3A_249] : memref<262144x64xf32, #tpu.memory_space<hbm>> -> memref<128x64xf32, #tpu.memory_space<hbm>>
      %dma_wait3A_251 = arith.constant 0 : i32
      %dma_wait3A_252 = tpu.memref_slice %arg10[%add3A_157, %dma_wait3A_251] : memref<262144x64xf32, #tpu.memory_space<hbm>> -> memref<128x64xf32, #tpu.memory_space<hbm>>
      tpu.wait_dma2 semaphore(%arg31 : memref<!tpu.dma_semaphore, #tpu.memory_space<semaphore_mem>>) src(%arg15 : memref<128x64xf32, #tpu.memory_space<vmem>>) dst(%dma_wait3A_252 : memref<128x64xf32, #tpu.memory_space<hbm>>)
      %dma_wait3A_253 = arith.constant 0 : i32
      %dma_wait3A_254 = tpu.memref_slice %arg10[%add3A_172, %dma_wait3A_253] : memref<262144x64xf32, #tpu.memory_space<hbm>> -> memref<128x64xf32, #tpu.memory_space<hbm>>
      %dma_wait3A_255 = arith.constant 0 : i32
      %dma_wait3A_256 = tpu.memref_slice %arg10[%add3A_172, %dma_wait3A_255] : memref<262144x64xf32, #tpu.memory_space<hbm>> -> memref<128x64xf32, #tpu.memory_space<hbm>>
      tpu.wait_dma2 semaphore(%arg32 : memref<!tpu.dma_semaphore, #tpu.memory_space<semaphore_mem>>) src(%arg16 : memref<128x64xf32, #tpu.memory_space<vmem>>) dst(%dma_wait3A_256 : memref<128x64xf32, #tpu.memory_space<hbm>>)
      %dma_wait3A_257 = arith.constant 0 : i32
      %dma_wait3A_258 = tpu.memref_slice %arg10[%add3A_187, %dma_wait3A_257] : memref<262144x64xf32, #tpu.memory_space<hbm>> -> memref<128x64xf32, #tpu.memory_space<hbm>>
      %dma_wait3A_259 = arith.constant 0 : i32
      %dma_wait3A_260 = tpu.memref_slice %arg10[%add3A_187, %dma_wait3A_259] : memref<262144x64xf32, #tpu.memory_space<hbm>> -> memref<128x64xf32, #tpu.memory_space<hbm>>
      tpu.wait_dma2 semaphore(%arg33 : memref<!tpu.dma_semaphore, #tpu.memory_space<semaphore_mem>>) src(%arg17 : memref<128x64xf32, #tpu.memory_space<vmem>>) dst(%dma_wait3A_260 : memref<128x64xf32, #tpu.memory_space<hbm>>)
      %dma_wait3A_261 = arith.constant 0 : i32
      %dma_wait3A_262 = tpu.memref_slice %arg10[%add3A_202, %dma_wait3A_261] : memref<262144x64xf32, #tpu.memory_space<hbm>> -> memref<128x64xf32, #tpu.memory_space<hbm>>
      %dma_wait3A_263 = arith.constant 0 : i32
      %dma_wait3A_264 = tpu.memref_slice %arg10[%add3A_202, %dma_wait3A_263] : memref<262144x64xf32, #tpu.memory_space<hbm>> -> memref<128x64xf32, #tpu.memory_space<hbm>>
      tpu.wait_dma2 semaphore(%arg34 : memref<!tpu.dma_semaphore, #tpu.memory_space<semaphore_mem>>) src(%arg18 : memref<128x64xf32, #tpu.memory_space<vmem>>) dst(%dma_wait3A_264 : memref<128x64xf32, #tpu.memory_space<hbm>>)
      %dma_wait3A_265 = arith.constant 0 : i32
      %dma_wait3A_266 = tpu.memref_slice %arg10[%add3A_217, %dma_wait3A_265] : memref<262144x64xf32, #tpu.memory_space<hbm>> -> memref<128x64xf32, #tpu.memory_space<hbm>>
      %dma_wait3A_267 = arith.constant 0 : i32
      %dma_wait3A_268 = tpu.memref_slice %arg10[%add3A_217, %dma_wait3A_267] : memref<262144x64xf32, #tpu.memory_space<hbm>> -> memref<128x64xf32, #tpu.memory_space<hbm>>
      tpu.wait_dma2 semaphore(%arg35 : memref<!tpu.dma_semaphore, #tpu.memory_space<semaphore_mem>>) src(%arg19 : memref<128x64xf32, #tpu.memory_space<vmem>>) dst(%dma_wait3A_268 : memref<128x64xf32, #tpu.memory_space<hbm>>)
      %dma_wait3A_269 = arith.constant 0 : i32
      %dma_wait3A_270 = tpu.memref_slice %arg10[%add3A_232, %dma_wait3A_269] : memref<262144x64xf32, #tpu.memory_space<hbm>> -> memref<128x64xf32, #tpu.memory_space<hbm>>
      %dma_wait3A_271 = arith.constant 0 : i32
      %dma_wait3A_272 = tpu.memref_slice %arg10[%add3A_232, %dma_wait3A_271] : memref<262144x64xf32, #tpu.memory_space<hbm>> -> memref<128x64xf32, #tpu.memory_space<hbm>>
      tpu.wait_dma2 semaphore(%arg36 : memref<!tpu.dma_semaphore, #tpu.memory_space<semaphore_mem>>) src(%arg20 : memref<128x64xf32, #tpu.memory_space<vmem>>) dst(%dma_wait3A_272 : memref<128x64xf32, #tpu.memory_space<hbm>>)
    }
    %scan3A_28 = arith.constant 8 : i32
    %mul3A_29 = arith.constant 8192 : i32
    %mul3A_30 = arith.muli %add3A, %mul3A_29 : i32
    "tpu.region"() ({
      %run_scoped3A = tpu.sem_alloc : memref<!tpu.dma_semaphore, #tpu.memory_space<semaphore_mem>>
      %dma_start3A_36 = arith.constant 0 : i32
      %dma_start3A_37 = tpu.memref_slice %arg12[%dma_start3A_36] : memref<8192xi32, #tpu.memory_space<vmem>> -> memref<8192xi32, #tpu.memory_space<vmem>>
      %dma_start3A_38 = tpu.memref_slice %arg7[%mul3A_30] : memref<262144xi32, #tpu.memory_space<hbm>> -> memref<8192xi32, #tpu.memory_space<hbm>>
      %dma_start3A_39 = arith.constant 0 : i32
      %dma_start3A_40 = tpu.memref_slice %arg12[%dma_start3A_39] : memref<8192xi32, #tpu.memory_space<vmem>> -> memref<8192xi32, #tpu.memory_space<vmem>>
      %dma_start3A_41 = tpu.memref_slice %arg7[%mul3A_30] : memref<262144xi32, #tpu.memory_space<hbm>> -> memref<8192xi32, #tpu.memory_space<hbm>>
      tpu.enqueue_dma source(%dma_start3A_41 : memref<8192xi32, #tpu.memory_space<hbm>>) target(%dma_start3A_40 : memref<8192xi32, #tpu.memory_space<vmem>>) target_semaphore(%run_scoped3A : memref<!tpu.dma_semaphore, #tpu.memory_space<semaphore_mem>>)
      %dma_wait3A_42 = arith.constant 0 : i32
      %dma_wait3A_43 = tpu.memref_slice %arg12[%dma_wait3A_42] : memref<8192xi32, #tpu.memory_space<vmem>> -> memref<8192xi32, #tpu.memory_space<vmem>>
      %dma_wait3A_44 = tpu.memref_slice %arg7[%mul3A_30] : memref<262144xi32, #tpu.memory_space<hbm>> -> memref<8192xi32, #tpu.memory_space<hbm>>
      %dma_wait3A_45 = arith.constant 0 : i32
      %dma_wait3A_46 = tpu.memref_slice %arg12[%dma_wait3A_45] : memref<8192xi32, #tpu.memory_space<vmem>> -> memref<8192xi32, #tpu.memory_space<vmem>>
      %dma_wait3A_47 = tpu.memref_slice %arg7[%mul3A_30] : memref<262144xi32, #tpu.memory_space<hbm>> -> memref<8192xi32, #tpu.memory_space<hbm>>
      tpu.wait_dma2 semaphore(%run_scoped3A : memref<!tpu.dma_semaphore, #tpu.memory_space<semaphore_mem>>) src(%dma_wait3A_47 : memref<8192xi32, #tpu.memory_space<hbm>>) dst(%dma_wait3A_46 : memref<8192xi32, #tpu.memory_space<vmem>>)
      tpu.yield
    }) : () -> ()
    %scan3A_31 = arith.constant 0 : i32
    %scan3A_32 = arith.constant 8 : i32
    %scan3A_33 = arith.addi %scan3A_31, %scan3A_32 : i32
    %scan3A_34 = arith.constant 1 : i32
    scf.for %scan3A_36 = %scan3A_31 to %scan3A_33 step %scan3A_34  : i32 {
      %mul3A_37 = arith.constant 1 : i32
      %mul3A_38 = arith.muli %scan3A_36, %mul3A_37 : i32
      %add3A_39 = arith.constant 0 : i32
      %add3A_40 = arith.addi %add3A_39, %mul3A_38 : i32
      %mul3A_41 = arith.constant 8 : i32
      %mul3A_42 = arith.muli %mul3A_41, %add3A_40 : i32
      %add3A_43 = arith.constant 0 : i32
      %add3A_44 = arith.addi %mul3A_42, %add3A_43 : i32
      %mul3A_45 = arith.constant 128 : i32
      %mul3A_46 = arith.muli %add3A_44, %mul3A_45 : i32
      %dma_start3A_47 = tpu.memref_slice %arg12[%mul3A_46] : memref<8192xi32, #tpu.memory_space<vmem>> -> memref<128xi32, #tpu.memory_space<vmem>>
      %dma_start3A_48 = arith.constant 0 : i32
      %dma_start3A_49 = arith.constant 0 : i32
      %dma_start3A_50 = tpu.memref_slice %arg2[%dma_start3A_48, %dma_start3A_49] : memref<100000x64xf32, #tpu.memory_space<hbm>> -> memref<100000x64xf32, #tpu.memory_space<hbm>>
      tpu.enqueue_indirect_dma source(%dma_start3A_50 : memref<100000x64xf32, #tpu.memory_space<hbm>>) target(%arg13 : memref<128x64xf32, #tpu.memory_space<vmem>>) offsets(%dma_start3A_47 : memref<128xi32, #tpu.memory_space<vmem>>) semaphore(%arg21 : memref<!tpu.dma_semaphore, #tpu.memory_space<semaphore_mem>>)
      %mul3A_51 = arith.constant 8 : i32
      %mul3A_52 = arith.muli %mul3A_51, %add3A_40 : i32
      %add3A_53 = arith.constant 1 : i32
      %add3A_54 = arith.addi %mul3A_52, %add3A_53 : i32
      %mul3A_55 = arith.constant 128 : i32
      %mul3A_56 = arith.muli %add3A_54, %mul3A_55 : i32
      %dma_start3A_57 = tpu.memref_slice %arg12[%mul3A_56] : memref<8192xi32, #tpu.memory_space<vmem>> -> memref<128xi32, #tpu.memory_space<vmem>>
      %dma_start3A_58 = arith.constant 0 : i32
      %dma_start3A_59 = arith.constant 0 : i32
      %dma_start3A_60 = tpu.memref_slice %arg2[%dma_start3A_58, %dma_start3A_59] : memref<100000x64xf32, #tpu.memory_space<hbm>> -> memref<100000x64xf32, #tpu.memory_space<hbm>>
      tpu.enqueue_indirect_dma source(%dma_start3A_60 : memref<100000x64xf32, #tpu.memory_space<hbm>>) target(%arg14 : memref<128x64xf32, #tpu.memory_space<vmem>>) offsets(%dma_start3A_57 : memref<128xi32, #tpu.memory_space<vmem>>) semaphore(%arg22 : memref<!tpu.dma_semaphore, #tpu.memory_space<semaphore_mem>>)
      %mul3A_61 = arith.constant 8 : i32
      %mul3A_62 = arith.muli %mul3A_61, %add3A_40 : i32
      %add3A_63 = arith.constant 2 : i32
      %add3A_64 = arith.addi %mul3A_62, %add3A_63 : i32
      %mul3A_65 = arith.constant 128 : i32
      %mul3A_66 = arith.muli %add3A_64, %mul3A_65 : i32
      %dma_start3A_67 = tpu.memref_slice %arg12[%mul3A_66] : memref<8192xi32, #tpu.memory_space<vmem>> -> memref<128xi32, #tpu.memory_space<vmem>>
      %dma_start3A_68 = arith.constant 0 : i32
      %dma_start3A_69 = arith.constant 0 : i32
      %dma_start3A_70 = tpu.memref_slice %arg2[%dma_start3A_68, %dma_start3A_69] : memref<100000x64xf32, #tpu.memory_space<hbm>> -> memref<100000x64xf32, #tpu.memory_space<hbm>>
      tpu.enqueue_indirect_dma source(%dma_start3A_70 : memref<100000x64xf32, #tpu.memory_space<hbm>>) target(%arg15 : memref<128x64xf32, #tpu.memory_space<vmem>>) offsets(%dma_start3A_67 : memref<128xi32, #tpu.memory_space<vmem>>) semaphore(%arg23 : memref<!tpu.dma_semaphore, #tpu.memory_space<semaphore_mem>>)
      %mul3A_71 = arith.constant 8 : i32
      %mul3A_72 = arith.muli %mul3A_71, %add3A_40 : i32
      %add3A_73 = arith.constant 3 : i32
      %add3A_74 = arith.addi %mul3A_72, %add3A_73 : i32
      %mul3A_75 = arith.constant 128 : i32
      %mul3A_76 = arith.muli %add3A_74, %mul3A_75 : i32
      %dma_start3A_77 = tpu.memref_slice %arg12[%mul3A_76] : memref<8192xi32, #tpu.memory_space<vmem>> -> memref<128xi32, #tpu.memory_space<vmem>>
      %dma_start3A_78 = arith.constant 0 : i32
      %dma_start3A_79 = arith.constant 0 : i32
      %dma_start3A_80 = tpu.memref_slice %arg2[%dma_start3A_78, %dma_start3A_79] : memref<100000x64xf32, #tpu.memory_space<hbm>> -> memref<100000x64xf32, #tpu.memory_space<hbm>>
      tpu.enqueue_indirect_dma source(%dma_start3A_80 : memref<100000x64xf32, #tpu.memory_space<hbm>>) target(%arg16 : memref<128x64xf32, #tpu.memory_space<vmem>>) offsets(%dma_start3A_77 : memref<128xi32, #tpu.memory_space<vmem>>) semaphore(%arg24 : memref<!tpu.dma_semaphore, #tpu.memory_space<semaphore_mem>>)
      %mul3A_81 = arith.constant 8 : i32
      %mul3A_82 = arith.muli %mul3A_81, %add3A_40 : i32
      %add3A_83 = arith.constant 4 : i32
      %add3A_84 = arith.addi %mul3A_82, %add3A_83 : i32
      %mul3A_85 = arith.constant 128 : i32
      %mul3A_86 = arith.muli %add3A_84, %mul3A_85 : i32
      %dma_start3A_87 = tpu.memref_slice %arg12[%mul3A_86] : memref<8192xi32, #tpu.memory_space<vmem>> -> memref<128xi32, #tpu.memory_space<vmem>>
      %dma_start3A_88 = arith.constant 0 : i32
      %dma_start3A_89 = arith.constant 0 : i32
      %dma_start3A_90 = tpu.memref_slice %arg2[%dma_start3A_88, %dma_start3A_89] : memref<100000x64xf32, #tpu.memory_space<hbm>> -> memref<100000x64xf32, #tpu.memory_space<hbm>>
      tpu.enqueue_indirect_dma source(%dma_start3A_90 : memref<100000x64xf32, #tpu.memory_space<hbm>>) target(%arg17 : memref<128x64xf32, #tpu.memory_space<vmem>>) offsets(%dma_start3A_87 : memref<128xi32, #tpu.memory_space<vmem>>) semaphore(%arg25 : memref<!tpu.dma_semaphore, #tpu.memory_space<semaphore_mem>>)
      %mul3A_91 = arith.constant 8 : i32
      %mul3A_92 = arith.muli %mul3A_91, %add3A_40 : i32
      %add3A_93 = arith.constant 5 : i32
      %add3A_94 = arith.addi %mul3A_92, %add3A_93 : i32
      %mul3A_95 = arith.constant 128 : i32
      %mul3A_96 = arith.muli %add3A_94, %mul3A_95 : i32
      %dma_start3A_97 = tpu.memref_slice %arg12[%mul3A_96] : memref<8192xi32, #tpu.memory_space<vmem>> -> memref<128xi32, #tpu.memory_space<vmem>>
      %dma_start3A_98 = arith.constant 0 : i32
      %dma_start3A_99 = arith.constant 0 : i32
      %dma_start3A_100 = tpu.memref_slice %arg2[%dma_start3A_98, %dma_start3A_99] : memref<100000x64xf32, #tpu.memory_space<hbm>> -> memref<100000x64xf32, #tpu.memory_space<hbm>>
      tpu.enqueue_indirect_dma source(%dma_start3A_100 : memref<100000x64xf32, #tpu.memory_space<hbm>>) target(%arg18 : memref<128x64xf32, #tpu.memory_space<vmem>>) offsets(%dma_start3A_97 : memref<128xi32, #tpu.memory_space<vmem>>) semaphore(%arg26 : memref<!tpu.dma_semaphore, #tpu.memory_space<semaphore_mem>>)
      %mul3A_101 = arith.constant 8 : i32
      %mul3A_102 = arith.muli %mul3A_101, %add3A_40 : i32
      %add3A_103 = arith.constant 6 : i32
      %add3A_104 = arith.addi %mul3A_102, %add3A_103 : i32
      %mul3A_105 = arith.constant 128 : i32
      %mul3A_106 = arith.muli %add3A_104, %mul3A_105 : i32
      %dma_start3A_107 = tpu.memref_slice %arg12[%mul3A_106] : memref<8192xi32, #tpu.memory_space<vmem>> -> memref<128xi32, #tpu.memory_space<vmem>>
      %dma_start3A_108 = arith.constant 0 : i32
      %dma_start3A_109 = arith.constant 0 : i32
      %dma_start3A_110 = tpu.memref_slice %arg2[%dma_start3A_108, %dma_start3A_109] : memref<100000x64xf32, #tpu.memory_space<hbm>> -> memref<100000x64xf32, #tpu.memory_space<hbm>>
      tpu.enqueue_indirect_dma source(%dma_start3A_110 : memref<100000x64xf32, #tpu.memory_space<hbm>>) target(%arg19 : memref<128x64xf32, #tpu.memory_space<vmem>>) offsets(%dma_start3A_107 : memref<128xi32, #tpu.memory_space<vmem>>) semaphore(%arg27 : memref<!tpu.dma_semaphore, #tpu.memory_space<semaphore_mem>>)
      %mul3A_111 = arith.constant 8 : i32
      %mul3A_112 = arith.muli %mul3A_111, %add3A_40 : i32
      %add3A_113 = arith.constant 7 : i32
      %add3A_114 = arith.addi %mul3A_112, %add3A_113 : i32
      %mul3A_115 = arith.constant 128 : i32
      %mul3A_116 = arith.muli %add3A_114, %mul3A_115 : i32
      %dma_start3A_117 = tpu.memref_slice %arg12[%mul3A_116] : memref<8192xi32, #tpu.memory_space<vmem>> -> memref<128xi32, #tpu.memory_space<vmem>>
      %dma_start3A_118 = arith.constant 0 : i32
      %dma_start3A_119 = arith.constant 0 : i32
      %dma_start3A_120 = tpu.memref_slice %arg2[%dma_start3A_118, %dma_start3A_119] : memref<100000x64xf32, #tpu.memory_space<hbm>> -> memref<100000x64xf32, #tpu.memory_space<hbm>>
      tpu.enqueue_indirect_dma source(%dma_start3A_120 : memref<100000x64xf32, #tpu.memory_space<hbm>>) target(%arg20 : memref<128x64xf32, #tpu.memory_space<vmem>>) offsets(%dma_start3A_117 : memref<128xi32, #tpu.memory_space<vmem>>) semaphore(%arg28 : memref<!tpu.dma_semaphore, #tpu.memory_space<semaphore_mem>>)
      %mul3A_121 = arith.constant 8 : i32
      %mul3A_122 = arith.muli %mul3A_121, %add3A_40 : i32
      %add3A_123 = arith.constant 0 : i32
      %add3A_124 = arith.addi %mul3A_122, %add3A_123 : i32
      %mul3A_125 = arith.constant 128 : i32
      %mul3A_126 = arith.muli %add3A_124, %mul3A_125 : i32
      %add3A_127 = arith.addi %mul3A_30, %mul3A_126 : i32
      %dma_wait3A_128 = tpu.memref_slice %arg12[%mul3A_46] : memref<8192xi32, #tpu.memory_space<vmem>> -> memref<128xi32, #tpu.memory_space<vmem>>
      %dma_wait3A_129 = arith.constant 0 : i32
      %dma_wait3A_130 = arith.constant 0 : i32
      %dma_wait3A_131 = tpu.memref_slice %arg2[%dma_wait3A_129, %dma_wait3A_130] : memref<100000x64xf32, #tpu.memory_space<hbm>> -> memref<100000x64xf32, #tpu.memory_space<hbm>>
      tpu.wait_indirect_dma semaphore(%arg21 : memref<!tpu.dma_semaphore, #tpu.memory_space<semaphore_mem>>) src(%dma_wait3A_131 : memref<100000x64xf32, #tpu.memory_space<hbm>>) dst(%arg13 : memref<128x64xf32, #tpu.memory_space<vmem>>)
      %dma_start3A_132 = arith.constant 0 : i32
      %dma_start3A_133 = tpu.memref_slice %arg11[%add3A_127, %dma_start3A_132] : memref<262144x64xf32, #tpu.memory_space<hbm>> -> memref<128x64xf32, #tpu.memory_space<hbm>>
      %dma_start3A_134 = arith.constant 0 : i32
      %dma_start3A_135 = tpu.memref_slice %arg11[%add3A_127, %dma_start3A_134] : memref<262144x64xf32, #tpu.memory_space<hbm>> -> memref<128x64xf32, #tpu.memory_space<hbm>>
      tpu.enqueue_dma source(%arg13 : memref<128x64xf32, #tpu.memory_space<vmem>>) target(%dma_start3A_135 : memref<128x64xf32, #tpu.memory_space<hbm>>) target_semaphore(%arg29 : memref<!tpu.dma_semaphore, #tpu.memory_space<semaphore_mem>>)
      %mul3A_136 = arith.constant 8 : i32
      %mul3A_137 = arith.muli %mul3A_136, %add3A_40 : i32
      %add3A_138 = arith.constant 1 : i32
      %add3A_139 = arith.addi %mul3A_137, %add3A_138 : i32
      %mul3A_140 = arith.constant 128 : i32
      %mul3A_141 = arith.muli %add3A_139, %mul3A_140 : i32
      %add3A_142 = arith.addi %mul3A_30, %mul3A_141 : i32
      %dma_wait3A_143 = tpu.memref_slice %arg12[%mul3A_56] : memref<8192xi32, #tpu.memory_space<vmem>> -> memref<128xi32, #tpu.memory_space<vmem>>
      %dma_wait3A_144 = arith.constant 0 : i32
      %dma_wait3A_145 = arith.constant 0 : i32
      %dma_wait3A_146 = tpu.memref_slice %arg2[%dma_wait3A_144, %dma_wait3A_145] : memref<100000x64xf32, #tpu.memory_space<hbm>> -> memref<100000x64xf32, #tpu.memory_space<hbm>>
      tpu.wait_indirect_dma semaphore(%arg22 : memref<!tpu.dma_semaphore, #tpu.memory_space<semaphore_mem>>) src(%dma_wait3A_146 : memref<100000x64xf32, #tpu.memory_space<hbm>>) dst(%arg14 : memref<128x64xf32, #tpu.memory_space<vmem>>)
      %dma_start3A_147 = arith.constant 0 : i32
      %dma_start3A_148 = tpu.memref_slice %arg11[%add3A_142, %dma_start3A_147] : memref<262144x64xf32, #tpu.memory_space<hbm>> -> memref<128x64xf32, #tpu.memory_space<hbm>>
      %dma_start3A_149 = arith.constant 0 : i32
      %dma_start3A_150 = tpu.memref_slice %arg11[%add3A_142, %dma_start3A_149] : memref<262144x64xf32, #tpu.memory_space<hbm>> -> memref<128x64xf32, #tpu.memory_space<hbm>>
      tpu.enqueue_dma source(%arg14 : memref<128x64xf32, #tpu.memory_space<vmem>>) target(%dma_start3A_150 : memref<128x64xf32, #tpu.memory_space<hbm>>) target_semaphore(%arg30 : memref<!tpu.dma_semaphore, #tpu.memory_space<semaphore_mem>>)
      %mul3A_151 = arith.constant 8 : i32
      %mul3A_152 = arith.muli %mul3A_151, %add3A_40 : i32
      %add3A_153 = arith.constant 2 : i32
      %add3A_154 = arith.addi %mul3A_152, %add3A_153 : i32
      %mul3A_155 = arith.constant 128 : i32
      %mul3A_156 = arith.muli %add3A_154, %mul3A_155 : i32
      %add3A_157 = arith.addi %mul3A_30, %mul3A_156 : i32
      %dma_wait3A_158 = tpu.memref_slice %arg12[%mul3A_66] : memref<8192xi32, #tpu.memory_space<vmem>> -> memref<128xi32, #tpu.memory_space<vmem>>
      %dma_wait3A_159 = arith.constant 0 : i32
      %dma_wait3A_160 = arith.constant 0 : i32
      %dma_wait3A_161 = tpu.memref_slice %arg2[%dma_wait3A_159, %dma_wait3A_160] : memref<100000x64xf32, #tpu.memory_space<hbm>> -> memref<100000x64xf32, #tpu.memory_space<hbm>>
      tpu.wait_indirect_dma semaphore(%arg23 : memref<!tpu.dma_semaphore, #tpu.memory_space<semaphore_mem>>) src(%dma_wait3A_161 : memref<100000x64xf32, #tpu.memory_space<hbm>>) dst(%arg15 : memref<128x64xf32, #tpu.memory_space<vmem>>)
      %dma_start3A_162 = arith.constant 0 : i32
      %dma_start3A_163 = tpu.memref_slice %arg11[%add3A_157, %dma_start3A_162] : memref<262144x64xf32, #tpu.memory_space<hbm>> -> memref<128x64xf32, #tpu.memory_space<hbm>>
      %dma_start3A_164 = arith.constant 0 : i32
      %dma_start3A_165 = tpu.memref_slice %arg11[%add3A_157, %dma_start3A_164] : memref<262144x64xf32, #tpu.memory_space<hbm>> -> memref<128x64xf32, #tpu.memory_space<hbm>>
      tpu.enqueue_dma source(%arg15 : memref<128x64xf32, #tpu.memory_space<vmem>>) target(%dma_start3A_165 : memref<128x64xf32, #tpu.memory_space<hbm>>) target_semaphore(%arg31 : memref<!tpu.dma_semaphore, #tpu.memory_space<semaphore_mem>>)
      %mul3A_166 = arith.constant 8 : i32
      %mul3A_167 = arith.muli %mul3A_166, %add3A_40 : i32
      %add3A_168 = arith.constant 3 : i32
      %add3A_169 = arith.addi %mul3A_167, %add3A_168 : i32
      %mul3A_170 = arith.constant 128 : i32
      %mul3A_171 = arith.muli %add3A_169, %mul3A_170 : i32
      %add3A_172 = arith.addi %mul3A_30, %mul3A_171 : i32
      %dma_wait3A_173 = tpu.memref_slice %arg12[%mul3A_76] : memref<8192xi32, #tpu.memory_space<vmem>> -> memref<128xi32, #tpu.memory_space<vmem>>
      %dma_wait3A_174 = arith.constant 0 : i32
      %dma_wait3A_175 = arith.constant 0 : i32
      %dma_wait3A_176 = tpu.memref_slice %arg2[%dma_wait3A_174, %dma_wait3A_175] : memref<100000x64xf32, #tpu.memory_space<hbm>> -> memref<100000x64xf32, #tpu.memory_space<hbm>>
      tpu.wait_indirect_dma semaphore(%arg24 : memref<!tpu.dma_semaphore, #tpu.memory_space<semaphore_mem>>) src(%dma_wait3A_176 : memref<100000x64xf32, #tpu.memory_space<hbm>>) dst(%arg16 : memref<128x64xf32, #tpu.memory_space<vmem>>)
      %dma_start3A_177 = arith.constant 0 : i32
      %dma_start3A_178 = tpu.memref_slice %arg11[%add3A_172, %dma_start3A_177] : memref<262144x64xf32, #tpu.memory_space<hbm>> -> memref<128x64xf32, #tpu.memory_space<hbm>>
      %dma_start3A_179 = arith.constant 0 : i32
      %dma_start3A_180 = tpu.memref_slice %arg11[%add3A_172, %dma_start3A_179] : memref<262144x64xf32, #tpu.memory_space<hbm>> -> memref<128x64xf32, #tpu.memory_space<hbm>>
      tpu.enqueue_dma source(%arg16 : memref<128x64xf32, #tpu.memory_space<vmem>>) target(%dma_start3A_180 : memref<128x64xf32, #tpu.memory_space<hbm>>) target_semaphore(%arg32 : memref<!tpu.dma_semaphore, #tpu.memory_space<semaphore_mem>>)
      %mul3A_181 = arith.constant 8 : i32
      %mul3A_182 = arith.muli %mul3A_181, %add3A_40 : i32
      %add3A_183 = arith.constant 4 : i32
      %add3A_184 = arith.addi %mul3A_182, %add3A_183 : i32
      %mul3A_185 = arith.constant 128 : i32
      %mul3A_186 = arith.muli %add3A_184, %mul3A_185 : i32
      %add3A_187 = arith.addi %mul3A_30, %mul3A_186 : i32
      %dma_wait3A_188 = tpu.memref_slice %arg12[%mul3A_86] : memref<8192xi32, #tpu.memory_space<vmem>> -> memref<128xi32, #tpu.memory_space<vmem>>
      %dma_wait3A_189 = arith.constant 0 : i32
      %dma_wait3A_190 = arith.constant 0 : i32
      %dma_wait3A_191 = tpu.memref_slice %arg2[%dma_wait3A_189, %dma_wait3A_190] : memref<100000x64xf32, #tpu.memory_space<hbm>> -> memref<100000x64xf32, #tpu.memory_space<hbm>>
      tpu.wait_indirect_dma semaphore(%arg25 : memref<!tpu.dma_semaphore, #tpu.memory_space<semaphore_mem>>) src(%dma_wait3A_191 : memref<100000x64xf32, #tpu.memory_space<hbm>>) dst(%arg17 : memref<128x64xf32, #tpu.memory_space<vmem>>)
      %dma_start3A_192 = arith.constant 0 : i32
      %dma_start3A_193 = tpu.memref_slice %arg11[%add3A_187, %dma_start3A_192] : memref<262144x64xf32, #tpu.memory_space<hbm>> -> memref<128x64xf32, #tpu.memory_space<hbm>>
      %dma_start3A_194 = arith.constant 0 : i32
      %dma_start3A_195 = tpu.memref_slice %arg11[%add3A_187, %dma_start3A_194] : memref<262144x64xf32, #tpu.memory_space<hbm>> -> memref<128x64xf32, #tpu.memory_space<hbm>>
      tpu.enqueue_dma source(%arg17 : memref<128x64xf32, #tpu.memory_space<vmem>>) target(%dma_start3A_195 : memref<128x64xf32, #tpu.memory_space<hbm>>) target_semaphore(%arg33 : memref<!tpu.dma_semaphore, #tpu.memory_space<semaphore_mem>>)
      %mul3A_196 = arith.constant 8 : i32
      %mul3A_197 = arith.muli %mul3A_196, %add3A_40 : i32
      %add3A_198 = arith.constant 5 : i32
      %add3A_199 = arith.addi %mul3A_197, %add3A_198 : i32
      %mul3A_200 = arith.constant 128 : i32
      %mul3A_201 = arith.muli %add3A_199, %mul3A_200 : i32
      %add3A_202 = arith.addi %mul3A_30, %mul3A_201 : i32
      %dma_wait3A_203 = tpu.memref_slice %arg12[%mul3A_96] : memref<8192xi32, #tpu.memory_space<vmem>> -> memref<128xi32, #tpu.memory_space<vmem>>
      %dma_wait3A_204 = arith.constant 0 : i32
      %dma_wait3A_205 = arith.constant 0 : i32
      %dma_wait3A_206 = tpu.memref_slice %arg2[%dma_wait3A_204, %dma_wait3A_205] : memref<100000x64xf32, #tpu.memory_space<hbm>> -> memref<100000x64xf32, #tpu.memory_space<hbm>>
      tpu.wait_indirect_dma semaphore(%arg26 : memref<!tpu.dma_semaphore, #tpu.memory_space<semaphore_mem>>) src(%dma_wait3A_206 : memref<100000x64xf32, #tpu.memory_space<hbm>>) dst(%arg18 : memref<128x64xf32, #tpu.memory_space<vmem>>)
      %dma_start3A_207 = arith.constant 0 : i32
      %dma_start3A_208 = tpu.memref_slice %arg11[%add3A_202, %dma_start3A_207] : memref<262144x64xf32, #tpu.memory_space<hbm>> -> memref<128x64xf32, #tpu.memory_space<hbm>>
      %dma_start3A_209 = arith.constant 0 : i32
      %dma_start3A_210 = tpu.memref_slice %arg11[%add3A_202, %dma_start3A_209] : memref<262144x64xf32, #tpu.memory_space<hbm>> -> memref<128x64xf32, #tpu.memory_space<hbm>>
      tpu.enqueue_dma source(%arg18 : memref<128x64xf32, #tpu.memory_space<vmem>>) target(%dma_start3A_210 : memref<128x64xf32, #tpu.memory_space<hbm>>) target_semaphore(%arg34 : memref<!tpu.dma_semaphore, #tpu.memory_space<semaphore_mem>>)
      %mul3A_211 = arith.constant 8 : i32
      %mul3A_212 = arith.muli %mul3A_211, %add3A_40 : i32
      %add3A_213 = arith.constant 6 : i32
      %add3A_214 = arith.addi %mul3A_212, %add3A_213 : i32
      %mul3A_215 = arith.constant 128 : i32
      %mul3A_216 = arith.muli %add3A_214, %mul3A_215 : i32
      %add3A_217 = arith.addi %mul3A_30, %mul3A_216 : i32
      %dma_wait3A_218 = tpu.memref_slice %arg12[%mul3A_106] : memref<8192xi32, #tpu.memory_space<vmem>> -> memref<128xi32, #tpu.memory_space<vmem>>
      %dma_wait3A_219 = arith.constant 0 : i32
      %dma_wait3A_220 = arith.constant 0 : i32
      %dma_wait3A_221 = tpu.memref_slice %arg2[%dma_wait3A_219, %dma_wait3A_220] : memref<100000x64xf32, #tpu.memory_space<hbm>> -> memref<100000x64xf32, #tpu.memory_space<hbm>>
      tpu.wait_indirect_dma semaphore(%arg27 : memref<!tpu.dma_semaphore, #tpu.memory_space<semaphore_mem>>) src(%dma_wait3A_221 : memref<100000x64xf32, #tpu.memory_space<hbm>>) dst(%arg19 : memref<128x64xf32, #tpu.memory_space<vmem>>)
      %dma_start3A_222 = arith.constant 0 : i32
      %dma_start3A_223 = tpu.memref_slice %arg11[%add3A_217, %dma_start3A_222] : memref<262144x64xf32, #tpu.memory_space<hbm>> -> memref<128x64xf32, #tpu.memory_space<hbm>>
      %dma_start3A_224 = arith.constant 0 : i32
      %dma_start3A_225 = tpu.memref_slice %arg11[%add3A_217, %dma_start3A_224] : memref<262144x64xf32, #tpu.memory_space<hbm>> -> memref<128x64xf32, #tpu.memory_space<hbm>>
      tpu.enqueue_dma source(%arg19 : memref<128x64xf32, #tpu.memory_space<vmem>>) target(%dma_start3A_225 : memref<128x64xf32, #tpu.memory_space<hbm>>) target_semaphore(%arg35 : memref<!tpu.dma_semaphore, #tpu.memory_space<semaphore_mem>>)
      %mul3A_226 = arith.constant 8 : i32
      %mul3A_227 = arith.muli %mul3A_226, %add3A_40 : i32
      %add3A_228 = arith.constant 7 : i32
      %add3A_229 = arith.addi %mul3A_227, %add3A_228 : i32
      %mul3A_230 = arith.constant 128 : i32
      %mul3A_231 = arith.muli %add3A_229, %mul3A_230 : i32
      %add3A_232 = arith.addi %mul3A_30, %mul3A_231 : i32
      %dma_wait3A_233 = tpu.memref_slice %arg12[%mul3A_116] : memref<8192xi32, #tpu.memory_space<vmem>> -> memref<128xi32, #tpu.memory_space<vmem>>
      %dma_wait3A_234 = arith.constant 0 : i32
      %dma_wait3A_235 = arith.constant 0 : i32
      %dma_wait3A_236 = tpu.memref_slice %arg2[%dma_wait3A_234, %dma_wait3A_235] : memref<100000x64xf32, #tpu.memory_space<hbm>> -> memref<100000x64xf32, #tpu.memory_space<hbm>>
      tpu.wait_indirect_dma semaphore(%arg28 : memref<!tpu.dma_semaphore, #tpu.memory_space<semaphore_mem>>) src(%dma_wait3A_236 : memref<100000x64xf32, #tpu.memory_space<hbm>>) dst(%arg20 : memref<128x64xf32, #tpu.memory_space<vmem>>)
      %dma_start3A_237 = arith.constant 0 : i32
      %dma_start3A_238 = tpu.memref_slice %arg11[%add3A_232, %dma_start3A_237] : memref<262144x64xf32, #tpu.memory_space<hbm>> -> memref<128x64xf32, #tpu.memory_space<hbm>>
      %dma_start3A_239 = arith.constant 0 : i32
      %dma_start3A_240 = tpu.memref_slice %arg11[%add3A_232, %dma_start3A_239] : memref<262144x64xf32, #tpu.memory_space<hbm>> -> memref<128x64xf32, #tpu.memory_space<hbm>>
      tpu.enqueue_dma source(%arg20 : memref<128x64xf32, #tpu.memory_space<vmem>>) target(%dma_start3A_240 : memref<128x64xf32, #tpu.memory_space<hbm>>) target_semaphore(%arg36 : memref<!tpu.dma_semaphore, #tpu.memory_space<semaphore_mem>>)
      %dma_wait3A_241 = arith.constant 0 : i32
      %dma_wait3A_242 = tpu.memref_slice %arg11[%add3A_127, %dma_wait3A_241] : memref<262144x64xf32, #tpu.memory_space<hbm>> -> memref<128x64xf32, #tpu.memory_space<hbm>>
      %dma_wait3A_243 = arith.constant 0 : i32
      %dma_wait3A_244 = tpu.memref_slice %arg11[%add3A_127, %dma_wait3A_243] : memref<262144x64xf32, #tpu.memory_space<hbm>> -> memref<128x64xf32, #tpu.memory_space<hbm>>
      tpu.wait_dma2 semaphore(%arg29 : memref<!tpu.dma_semaphore, #tpu.memory_space<semaphore_mem>>) src(%arg13 : memref<128x64xf32, #tpu.memory_space<vmem>>) dst(%dma_wait3A_244 : memref<128x64xf32, #tpu.memory_space<hbm>>)
      %dma_wait3A_245 = arith.constant 0 : i32
      %dma_wait3A_246 = tpu.memref_slice %arg11[%add3A_142, %dma_wait3A_245] : memref<262144x64xf32, #tpu.memory_space<hbm>> -> memref<128x64xf32, #tpu.memory_space<hbm>>
      %dma_wait3A_247 = arith.constant 0 : i32
      %dma_wait3A_248 = tpu.memref_slice %arg11[%add3A_142, %dma_wait3A_247] : memref<262144x64xf32, #tpu.memory_space<hbm>> -> memref<128x64xf32, #tpu.memory_space<hbm>>
      tpu.wait_dma2 semaphore(%arg30 : memref<!tpu.dma_semaphore, #tpu.memory_space<semaphore_mem>>) src(%arg14 : memref<128x64xf32, #tpu.memory_space<vmem>>) dst(%dma_wait3A_248 : memref<128x64xf32, #tpu.memory_space<hbm>>)
      %dma_wait3A_249 = arith.constant 0 : i32
      %dma_wait3A_250 = tpu.memref_slice %arg11[%add3A_157, %dma_wait3A_249] : memref<262144x64xf32, #tpu.memory_space<hbm>> -> memref<128x64xf32, #tpu.memory_space<hbm>>
      %dma_wait3A_251 = arith.constant 0 : i32
      %dma_wait3A_252 = tpu.memref_slice %arg11[%add3A_157, %dma_wait3A_251] : memref<262144x64xf32, #tpu.memory_space<hbm>> -> memref<128x64xf32, #tpu.memory_space<hbm>>
      tpu.wait_dma2 semaphore(%arg31 : memref<!tpu.dma_semaphore, #tpu.memory_space<semaphore_mem>>) src(%arg15 : memref<128x64xf32, #tpu.memory_space<vmem>>) dst(%dma_wait3A_252 : memref<128x64xf32, #tpu.memory_space<hbm>>)
      %dma_wait3A_253 = arith.constant 0 : i32
      %dma_wait3A_254 = tpu.memref_slice %arg11[%add3A_172, %dma_wait3A_253] : memref<262144x64xf32, #tpu.memory_space<hbm>> -> memref<128x64xf32, #tpu.memory_space<hbm>>
      %dma_wait3A_255 = arith.constant 0 : i32
      %dma_wait3A_256 = tpu.memref_slice %arg11[%add3A_172, %dma_wait3A_255] : memref<262144x64xf32, #tpu.memory_space<hbm>> -> memref<128x64xf32, #tpu.memory_space<hbm>>
      tpu.wait_dma2 semaphore(%arg32 : memref<!tpu.dma_semaphore, #tpu.memory_space<semaphore_mem>>) src(%arg16 : memref<128x64xf32, #tpu.memory_space<vmem>>) dst(%dma_wait3A_256 : memref<128x64xf32, #tpu.memory_space<hbm>>)
      %dma_wait3A_257 = arith.constant 0 : i32
      %dma_wait3A_258 = tpu.memref_slice %arg11[%add3A_187, %dma_wait3A_257] : memref<262144x64xf32, #tpu.memory_space<hbm>> -> memref<128x64xf32, #tpu.memory_space<hbm>>
      %dma_wait3A_259 = arith.constant 0 : i32
      %dma_wait3A_260 = tpu.memref_slice %arg11[%add3A_187, %dma_wait3A_259] : memref<262144x64xf32, #tpu.memory_space<hbm>> -> memref<128x64xf32, #tpu.memory_space<hbm>>
      tpu.wait_dma2 semaphore(%arg33 : memref<!tpu.dma_semaphore, #tpu.memory_space<semaphore_mem>>) src(%arg17 : memref<128x64xf32, #tpu.memory_space<vmem>>) dst(%dma_wait3A_260 : memref<128x64xf32, #tpu.memory_space<hbm>>)
      %dma_wait3A_261 = arith.constant 0 : i32
      %dma_wait3A_262 = tpu.memref_slice %arg11[%add3A_202, %dma_wait3A_261] : memref<262144x64xf32, #tpu.memory_space<hbm>> -> memref<128x64xf32, #tpu.memory_space<hbm>>
      %dma_wait3A_263 = arith.constant 0 : i32
      %dma_wait3A_264 = tpu.memref_slice %arg11[%add3A_202, %dma_wait3A_263] : memref<262144x64xf32, #tpu.memory_space<hbm>> -> memref<128x64xf32, #tpu.memory_space<hbm>>
      tpu.wait_dma2 semaphore(%arg34 : memref<!tpu.dma_semaphore, #tpu.memory_space<semaphore_mem>>) src(%arg18 : memref<128x64xf32, #tpu.memory_space<vmem>>) dst(%dma_wait3A_264 : memref<128x64xf32, #tpu.memory_space<hbm>>)
      %dma_wait3A_265 = arith.constant 0 : i32
      %dma_wait3A_266 = tpu.memref_slice %arg11[%add3A_217, %dma_wait3A_265] : memref<262144x64xf32, #tpu.memory_space<hbm>> -> memref<128x64xf32, #tpu.memory_space<hbm>>
      %dma_wait3A_267 = arith.constant 0 : i32
      %dma_wait3A_268 = tpu.memref_slice %arg11[%add3A_217, %dma_wait3A_267] : memref<262144x64xf32, #tpu.memory_space<hbm>> -> memref<128x64xf32, #tpu.memory_space<hbm>>
      tpu.wait_dma2 semaphore(%arg35 : memref<!tpu.dma_semaphore, #tpu.memory_space<semaphore_mem>>) src(%arg19 : memref<128x64xf32, #tpu.memory_space<vmem>>) dst(%dma_wait3A_268 : memref<128x64xf32, #tpu.memory_space<hbm>>)
      %dma_wait3A_269 = arith.constant 0 : i32
      %dma_wait3A_270 = tpu.memref_slice %arg11[%add3A_232, %dma_wait3A_269] : memref<262144x64xf32, #tpu.memory_space<hbm>> -> memref<128x64xf32, #tpu.memory_space<hbm>>
      %dma_wait3A_271 = arith.constant 0 : i32
      %dma_wait3A_272 = tpu.memref_slice %arg11[%add3A_232, %dma_wait3A_271] : memref<262144x64xf32, #tpu.memory_space<hbm>> -> memref<128x64xf32, #tpu.memory_space<hbm>>
      tpu.wait_dma2 semaphore(%arg36 : memref<!tpu.dma_semaphore, #tpu.memory_space<semaphore_mem>>) src(%arg20 : memref<128x64xf32, #tpu.memory_space<vmem>>) dst(%dma_wait3A_272 : memref<128x64xf32, #tpu.memory_space<hbm>>)
    }
    %scan3A_35 = arith.constant 8 : i32
    return
  }
}

</mosaic_0001>

<sc_bundles>
// kernel: _sc_gather.3.cloned.1.call-start
scs
__scs_entry_jumppad:
0x0: {  	(pc) =	sbr.rel $0x88, $3  }
0x1: {  	(tag) =	ssettag $0x0;
	lr =	simm.s32 $0x1  }
0x2: {  	[smem:$0x3F9B] =	sst lr;
	_ =	strace $0xD0000000  }
0x3: {  	_ = 	snop  }
0x4: {  	_ = 	snop  }
0x5: {  	_ = 	snop  }
0x6: {  	_ = 	snop  }
0x7: {  	_ = 	snop  }
__scs_overlays_trampoline_lowered:
0x8: {  	[smem:$0x3FAA] =	sst s0  }
0x9: {  	[smem:$0x3FAB] =	sst s1  }
0xa: {  	[smem:$0x3FAC] =	sst s2  }
0xb: {  	[smem:$0x3FAD] =	sst s3  }
0xc: {  	[smem:$0x3FAE] =	sst s4  }
0xd: {  	[smem:$0x3FAF] =	sst s5  }
0xe: {  	[smem:$0x3FB0] =	sst s6  }
0xf: {  	[smem:$0x3FB1] =	sst s7  }
0x10: {  	[smem:$0x3FB2] =	sst s8  }
0x11: {  	[smem:$0x3FB3] =	sst s9;
	s0 =	simm.s32 @!p0 $0x0  }
0x12: {  	s1 =	sld [smem:$0x3F99];
	s0 =	simm.s32 @p0 $0x1  }
0x13: {  	[smem:$0x3FB4] =	sst s0;
	s0 =	simm.s32 @!p1 $0x0  }
0x14: {  	s2 =	sld [smem:$0x3F98];
	s0 =	simm.s32 @p1 $0x1  }
0x15: {  	[smem:$0x3FB5] =	sst s0;
	s0 =	simm.s32 @!p2 $0x0  }
0x16: {  	s3 =	sld [smem:$0x3FDB];
	s0 =	simm.s32 @p2 $0x1  }
0x17: {  	s4 =	simm.s32 $0x1BF5;
	[smem:$0x3FB7] =	sst s0  }
0x18: {  	s0 =	sld [smem:$0x3F9A];
	_ =	swait.ge [sflag:s4], $0x0  }
0x19: {  	s7 =	sld [smem:$0x3F9B]  }
0x1a: {  	s8 =	sadd.s32 $0xFFFFE003, lr  }
0x1b: {  	s9 =	sadd.s32 $0xFFFFFEF7, lr;
	s5 =	simm.s32 $0xFFFFFFFF;
	p2 =	slt.u32 s8, $0xFFFFF086  }
0x1c: {  	p1 =	slt.u32 s9, $0xF7A;
	s5 =	simm.s32 @!p2 $0x0  }
0x1d: {  	s5 =	simm.s32 @p1 $0x1;
	p0 =	seq.s32 s7, s2  }
0x1e: {  	s7 =	smul.u32 @!p0 $0xF7A, s2;
	p2 =	seq.s32 @!p0 s5, $0x0  }
0x1f: {  	s9 =	smul.u32 $0xF7A, s1;
	s8 =	simm.s32 @!p0 $0x1BF5;
	p2 =	por !p2, p0  }
0x20: {  	[sflag:s8] =	ssyncset.s32 @!p0 $0xFFFFF086;
	s6 =	sadd.s32 @!p0 s3, s7;
	s7 =	simm.s32 @!p0 $0x108  }
0x21: {  	s3 =	sadd.s32 s3, s9;
	s6 =	sadd.s32 @!p0 $0x88, s6;
	s7 =	simm.s32 @p2 $0x1082  }
0x22: {  	[simem:s7], [sflag:s8] =	dma.local @!p0 [hbm:s6], $0xF7A  }
0x23: {  	s9 =	sor.u32 $0xD0000000, s2;
	s6 =	simm.s32 $0x108;
	_ =	swait.ge @!p0 [sflag:s8], $0x0  }
0x24: {  	s3 =	sadd.s32 $0x88, s3;
	s6 =	simm.s32 @!p1 $0x1082;
	[sflag:s4] =	ssyncset.s32 $0xFFFFF086  }
0x25: {  	[simem:s6], [sflag:s4] =	dma.local [hbm:s3], $0xF7A  }
0x26: {  	[smem:$0x3F9B] =	sst s1;
	(tag) =	ssettag s2;
	_ =	strace s9  }
0x27: {  	s1 =	sld [smem:$0x3FAB]  }
0x28: {  	s2 =	sld [smem:$0x3FAC]  }
0x29: {  	s4 =	sld [smem:$0x3FAE]  }
0x2a: {  	p0 =	seq.s32 s5, $0x0;
	s5 =	sld [smem:$0x3FAF]  }
0x2b: {  	s6 =	sld [smem:$0x3FB0]  }
0x2c: {  	s7 =	sld [smem:$0x3FB1]  }
0x2d: {  	s3 =	simm.s32 $0x108;
	s8 =	sld [smem:$0x3FB2]  }
0x2e: {  	s3 =	simm.s32 @!p0 $0x1082;
	s9 =	sld [smem:$0x3FB3]  }
0x2f: {  	lr =	sadd.s32 s0, s3;
	s0 =	sld [smem:$0x3FAA]  }
0x30: {  	s3 =	sld [smem:$0x3FAD]  }
0x31: {  	[smem:$0x3FB6] =	sst s10  }
0x32: {  	s10 =	sld [smem:$0x3FB4];
	_ =	sdelay $0x3  }
0x33: {  	p0 =	seq.s32 s10, $0x1;
	s10 =	sld [smem:$0x3FB6];
	_ =	sdelay $0x3  }
0x34: {  	[smem:$0x3FB6] =	sst s10  }
0x35: {  	s10 =	sld [smem:$0x3FB5];
	_ =	sdelay $0x3  }
0x36: {  	p1 =	seq.s32 s10, $0x1;
	s10 =	sld [smem:$0x3FB6];
	_ =	sdelay $0x3  }
0x37: {  	[smem:$0x3FB6] =	sst s10  }
0x38: {  	s10 =	sld [smem:$0x3FB7]  }
0x39: {  	_ = 	snop;
	(pc) =	sbr.ind lr, $3  }
0x3a: {  	_ = 	snop  }
0x3b: {  	_ = 	snop  }
0x3c: {  	p2 =	seq.s32 s10, $0x1;
	s10 =	sld [smem:$0x3FB6]  }
0x3d: {  	_ =	shalt  }
0x3e: {  	_ =	shalt  }
0x3f: {  	_ =	shalt  }
0x40: {  	_ =	shalt  }
0x41: {  	_ =	shalt  }
0x42: {  	_ =	shalt  }
0x43: {  	_ =	shalt  }
0x44: {  	_ =	shalt  }
0x45: {  	_ =	shalt  }
0x46: {  	_ =	shalt  }
0x47: {  	_ =	shalt  }
0x48: {  	_ =	shalt  }
0x49: {  	_ =	shalt  }
0x4a: {  	_ =	shalt  }
0x4b: {  	_ =	shalt  }
0x4c: {  	_ =	shalt  }
0x4d: {  	_ =	shalt  }
0x4e: {  	_ =	shalt  }
0x4f: {  	_ =	shalt  }
0x50: {  	_ =	shalt  }
0x51: {  	_ =	shalt  }
0x52: {  	_ =	shalt  }
0x53: {  	_ =	shalt  }
0x54: {  	_ =	shalt  }
0x55: {  	_ =	shalt  }
0x56: {  	_ =	shalt  }
0x57: {  	_ =	shalt  }
0x58: {  	_ =	shalt  }
0x59: {  	_ =	shalt  }
0x5a: {  	_ =	shalt  }
0x5b: {  	_ =	shalt  }
0x5c: {  	_ =	shalt  }
0x5d: {  	_ =	shalt  }
0x5e: {  	_ =	shalt  }
0x5f: {  	_ =	shalt  }
0x60: {  	_ =	shalt  }
0x61: {  	_ =	shalt  }
0x62: {  	_ =	shalt  }
0x63: {  	_ =	shalt  }
0x64: {  	_ =	shalt  }
0x65: {  	_ =	shalt  }
0x66: {  	_ =	shalt  }
0x67: {  	_ =	shalt  }
0x68: {  	_ =	shalt  }
0x69: {  	_ =	shalt  }
0x6a: {  	_ =	shalt  }
0x6b: {  	_ =	shalt  }
0x6c: {  	_ =	shalt  }
0x6d: {  	_ =	shalt  }
0x6e: {  	_ =	shalt  }
0x6f: {  	_ =	shalt  }
0x70: {  	_ =	shalt  }
0x71: {  	_ =	shalt  }
0x72: {  	_ =	shalt  }
0x73: {  	_ =	shalt  }
0x74: {  	_ =	shalt  }
0x75: {  	_ =	shalt  }
0x76: {  	_ =	shalt  }
0x77: {  	_ =	shalt  }
0x78: {  	_ =	shalt  }
0x79: {  	_ =	shalt  }
0x7a: {  	_ =	shalt  }
0x7b: {  	_ =	shalt  }
0x7c: {  	_ =	shalt  }
0x7d: {  	_ =	shalt  }
0x7e: {  	_ =	shalt  }
0x7f: {  	_ =	shalt  }
0x80: {  	_ =	shalt  }
0x81: {  	_ =	shalt  }
0x82: {  	_ =	shalt  }
0x83: {  	_ =	shalt  }
0x84: {  	_ =	shalt  }
0x85: {  	_ =	shalt  }
0x86: {  	_ =	shalt  }
0x87: {  	_ =	shalt  }
.Lfunc_end0:
.L_simem_size_0:
called_computation.2_lowered:
.L_overlay_start_0:
0x88: {  	s2 =	sld [smem:$0x3FD9]  }
0x89: {  	s3 =	sld [smem:$0x3FFE];
	_ =	sdelay $0x1  }
0x8a: {  	s1 =	srdreg.scid  }
0x8b: {  	s0 =	sand.u32 $0x1, s1  }
0x8c: {  	s14 =	sshll.u32 s0, $0xA;
	s2 =	sadd.s32 s3, s2  }
0x8d: {  	s2 =	sadd.s32 s2, s14  }
0x8e: {  	[smem:$0x3FC2] =	sst s2  }
0x8f: {  	_ = 	snop  }
0x90: {  	s2 =	sld [smem:$0x3FC7]  }
0x91: {  	s15 =	sld [smem:$0x3FD0]  }
0x92: {  	s4 =	sld [smem:$0x3FC6]  }
0x93: {  	s5 =	sld [smem:$0x3FC5]  }
0x94: {  	s7 =	simm.s32 $0xB;
	s8 =	simm.s32 $0x10;
	s6 =	sld [smem:$0x3FC4]  }
0x95: {  	[smem:s8], [sflag:s7] =	dma.local [hbm:s15], $0x1  }
0x96: {  	_ =	swait.eq [sflag:s7], $0x1  }
0x97: {  	s16 =	sld [smem:$0x10]  }
0x98: {  	s17 =	sld [smem:$0x11];
	[sflag:s7] =	ssyncset.done $0x0  }
0x99: {  	s9 =	sld [smem:$0x12];
	[sflag:s7] =	ssyncadd.s32 $0xFFFFFFFF  }
0x9a: {  	s18 =	sld [smem:$0x13];
	(tm) =	ssettm $0x1  }
0x9b: {  	s10 =	sld [smem:$0x3FFB];
	_ =	sdelay $0x3  }
0x9c: {  	_ =	strace s10  }
0x9d: {  	s10 =	sld [smem:$0x3FFC];
	_ =	sdelay $0x3  }
0x9e: {  	_ =	strace s10  }
0x9f: {  	s10 =	sld [smem:$0x3FFD];
	_ =	sdelay $0x3  }
0xa0: {  	_ =	strace s10  }
0xa1: {  	_ =	strace $0x8FFFFFFF  }
0xa2: {  	s19 =	sld [smem:$0x3FDB];
	_ =	sdelay $0x1  }
0xa3: {  	s11 =	simm.s32 $_scs_section_size  }
0xa4: {  	s12 =	simm.s32 $_size__tile_overlayer_lowered;
	s13 =	simm.s32 $_tile_overlayer_lowered  }
0xa5: {  	s22 =	simm.s32 $0x1BFF;
	s21 =	sshll.u32 s13, $0x1;
	s10 =	sadd.s32 s11, s19  }
0xa6: {  	s20 =	sshll.u32 s12, $0x1;
	s14 =	simm.s32 $0x0;
	s12 =	sadd.s32 s21, s10  }
0xa7: {  	[timem:s14], [sflag:s22] =	dma.local [hbm:s12], s20  }
0xa8: {  	_ =	swait.ge [sflag:s22], s20  }
0xa9: {  	s11 =	ssub.s32 $0x0, s20;
	[sflag:s22] =	ssyncset.done $0x0  }
0xaa: {  	[sflag:s22] =	ssyncadd.s32 s11;
	_ =	sdelay $0x1  }
0xab: {  	s23 =	simm.s32 $0x1B8B  }
0xac: {  	_ =	swait.ge [sflag:s23], $0x1  }
0xad: {  	[sflag:s23] =	ssyncset.done $0x0  }
0xae: {  	s25 =	simm.s32 $0x1B8E;
	s24 =	sld [smem:$0x3FFE];
	[sflag:s23] =	ssyncadd.s32 $0xFFFFFFFF  }
0xaf: {  	s26 =	simm.s32 $execute0_lowered;
	[smem:$0x3FD2] =	sst s25  }
0xb0: {  	s12 =	sshll.u32 s26, $0x1;
	_ =	strace $0x80000046;
	[dreg:$0x1] =	wrdreg $0xFFFFFFFF  }
0xb1: {  	s28 =	simm.s32 $_size_execute0_lowered;
	s10 =	sadd.s32 s10, s12;
	[dreg:$0x0] =	wrdreg $0x0  }
0xb2: {  	s12 =	sshll.u32 s28, $0x1;
	[dreg:$0x2] =	wrdreg s10  }
0xb3: {  	[dreg:$0x3] =	wrdreg s12  }
0xb4: {  	[dreg:$0x4] =	wrdreg $0xC0  }
0xb5: {  	_ =	task [dreg:s14], $0x5FFFF  }
0xb6: {  	[dreg:$0x1] =	wrdreg $0xFFFFFFFF  }
0xb7: {  	[dreg:$0x0] =	wrdreg $0x60  }
0xb8: {  	[dreg:$0x2] =	wrdreg s24  }
0xb9: {  	[dreg:$0x3] =	wrdreg s2  }
0xba: {  	[dreg:$0x4] =	wrdreg s4  }
0xbb: {  	[dreg:$0x5] =	wrdreg s5  }
0xbc: {  	[dreg:$0x6] =	wrdreg s6  }
0xbd: {  	[dreg:$0x7] =	wrdreg s16  }
0xbe: {  	[dreg:$0x8] =	wrdreg s17  }
0xbf: {  	[dreg:$0x9] =	wrdreg s9  }
0xc0: {  	[dreg:$0xa] =	wrdreg s18  }
0xc1: {  	[dreg:$0xb] =	wrdreg $0x9  }
0xc2: {  	_ =	task.clear_ibuf [dreg:s14], $0xCFFFF;
	_ =	strace $0x90000046  }
0xc3: {  	s29 =	simm.s32 $0x9;
	_ =	strace $0x80000048  }
0xc4: {  	_ =	swait.ge [sflag:s29], $0x1  }
0xc5: {  	[sflag:s29] =	ssyncadd.s32 $0xFFFFFFFF  }
0xc6: {  	_ =	strace $0x90000048  }
0xc7: {  	_ =	sfence  }
0xc8: {  	s30 =	sld [smem:$0x0];
	_ =	sdelay $0x2  }
0xc9: {  	s31 =	sshll.u32 s1, $0xD;
	s1 =	sshrl.u32 s1, $0x2  }
0xca: {  	s3 =	sand.u32 $0x4000, s31;
	s1 =	sadd.s32 s1, s30  }
0xcb: {  	s0 =	sor.u32 s3, s0;
	s1 =	sshll.u32 s1, $0x11  }
0xcc: {  	s0 =	sor.u32 s1, s0  }
0xcd: {  	s0 =	sadd.s32 $0x8F2B, s0  }
0xce: {  	[sflag:s0] =	ssyncadd.remote.s32 $0x1  }
0xcf: {  	_ =	sfence.sel $0xFFFF  }
0xd0: {  	[dreg:$0x0] =	wrdreg $0xFFFFFFFF;
	(pc) =	sbr.abs _section_cstart, $3  }
0xd1: {  	[dreg:$0x1] =	wrdreg $0xFFFFFFFF  }
0xd2: {  	_ =	task.clear_ibuf [dreg:s14], $0x2FFFF;
	_ =	strace $0x9FFFFFFF  }
0xd3: {  	(tm) =	ssettm $0x7FFFFFFF  }
tec
execute0_lowered:
.L_overlay_start_1:
0x0: {  	(tag) =	ssettag $0x1  }
0x1: {  	s4 =	rddreg [dreg:$0x0]  }
0x2: {  	s6 =	rddreg [dreg:$0x1]  }
0x3: {  	s7 =	rddreg [dreg:$0x2]  }
0x4: {  	s2 =	rddreg [dreg:$0x3]  }
0x5: {  	s0 =	rddreg [dreg:$0x4]  }
0x6: {  	s8 =	rddreg [dreg:$0x5]  }
0x7: {  	s9 =	rddreg [dreg:$0x6]  }
0x8: {  	s10 =	rddreg [dreg:$0x7]  }
0x9: {  	s5 =	rddreg [dreg:$0x8];
	s1 =	simm.s32 $0x0  }
0xa: {  	s11 =	srdreg.scid;
	s17 =	stileid.u32;
	s28 =	simm.s32 $0x6  }
0xb: {  	s29 =	simm.s32 $0x7;
	[smem:$0x7FF] =	sst s1;
	s11 =	sand.u32 $0x1, s11  }
0xc: {  	s14 =	sshll.u32 s17, $0x11;
	s17 =	sshll.u32 s17, $0x1;
	s12 =	ssub.s32 $0x2, s11  }
0xd: {  	s15 =	sshll.u32 s11, $0x10;
	s19 =	sadd.s32 s14, s10;
	s26 =	sadd.s32 s14, s5  }
0xe: {  	s11 =	sor.u32 s11, s17;
	s13 =	sshrl.u32 s12, $0x1;
	s16 =	sor.u32 s15, s14  }
0xf: {  	s14 =	sshll.u32 s11, $0x4;
	s12 =	ssub.s32 s12, s13;
	s13 =	sadd.s32 s15, s19  }
0x10: {  	_ =	strace $0x80000047;
	s6 =	sadd.s32 s6, s14;
	[dreg:$0xa] =	wrdreg s13  }
0x11: {  	s18 =	sor.u32 $0x1800, s16;
	s7 =	sadd.s32 s7, s14;
	[dreg:$0x1a] =	wrdreg s6  }
0x12: {  	s19 =	sor.u32 $0x1400, s16;
	s20 =	sadd.s32 s18, s10;
	[dreg:$0x1c] =	wrdreg s7  }
0x13: {  	s30 =	simm.s32 $0x8;
	s21 =	sadd.s32 s19, s10;
	[dreg:$0xb] =	wrdreg s20  }
0x14: {  	s31 =	simm.s32 $0x9;
	s13 =	sadd.s32 s15, s26;
	[dreg:$0xc] =	wrdreg s21  }
0x15: {  	s3 =	sadd.s32 $0x3000, s4;
	s15 =	sadd.s32 s18, s5;
	[dreg:$0x12] =	wrdreg s13  }
0x16: {  	s4 =	sadd.s32 $0xC6600, s4;
	s17 =	sadd.s32 s19, s5;
	[dreg:$0x13] =	wrdreg s15  }
0x17: {  	s18 =	sshll.u32 s11, $0xA;
	s26 =	smax.u32 s12, $0x1;
	[dreg:$0x14] =	wrdreg s17  }
0x18: {  	s6 =	simm.s32 $0xD;
	s8 =	sadd.s32 s8, s18;
	[smem:$0x7FD] =	sst s26  }
0x19: {  	s7 =	simm.s32 $0xE;
	s2 =	sadd.s32 s2, s18;
	[dreg:$0x1b] =	wrdreg s8  }
0x1a: {  	s20 =	sor.u32 $0x1000, s16;
	s0 =	sadd.s32 s0, s18;
	[dreg:$0x1e] =	wrdreg s2  }
0x1b: {  	s21 =	sor.u32 $0xC00, s16;
	s22 =	sadd.s32 s20, s10;
	[dreg:$0x1f] =	wrdreg s0  }
0x1c: {  	s11 =	simm.s32 $0x0;
	s23 =	sadd.s32 s21, s10;
	[dreg:$0xd] =	wrdreg s22  }
0x1d: {  	s13 =	simm.s32 $0x80;
	s19 =	sadd.s32 s20, s5;
	[dreg:$0xe] =	wrdreg s23  }
0x1e: {  	s20 =	sadd.s32 s21, s5;
	s22 =	sor.u32 $0x800, s16;
	[dreg:$0x15] =	wrdreg s19  }
0x1f: {  	s23 =	sor.u32 $0x400, s16;
	[dreg:$0x16] =	wrdreg s20;
	s24 =	sadd.s32 s22, s10  }
0x20: {  	s16 =	sor.u32 $0x1C00, s16;
	s25 =	sadd.s32 s23, s10;
	[dreg:$0xf] =	wrdreg s24  }
0x21: {  	s26 =	simm.s32 $0x5;
	s10 =	sadd.s32 s16, s10;
	[dreg:$0x10] =	wrdreg s25  }
0x22: {  	s21 =	sadd.s32 s22, s5;
	s22 =	sadd.s32 s9, s18;
	[dreg:$0x11] =	wrdreg s10  }
0x23: {  	s0 =	simm.s32 $0xA;
	s2 =	simm.s32 $0xB;
	[dreg:$0x1d] =	wrdreg s22  }
0x24: {  	s8 =	simm.s32 $0xF;
	[dreg:$0x17] =	wrdreg s21;
	s24 =	sadd.s32 s23, s5  }
0x25: {  	s9 =	simm.s32 $0x10;
	s25 =	sadd.s32 s16, s5;
	[dreg:$0x18] =	wrdreg s24  }
0x26: {  	s5 =	simm.s32 $0xC;
	[dreg:$0x19] =	wrdreg s25;
	s25 =	simm.s32 $0x4  }
.LBB2_1:
0x27: {  	[smem:$0x7FC] =	sst s11  }
0x28: {  	s10 =	rddreg [dreg:$0x1a];
	s14 =	simm.s32 $0x11  }
0x29: {  	[tilespmem:s1], [sflag:$0x11] =	stream.linear.gather [hbm4b:s10+s1], $0x80, $0x38;
	[tilespmem:$0x12000] =	vst v63  }
0x2a: {  	_ =	swait.ge [sflag:s14], $0x80  }
0x2b: {  	[sflag:s14] =	ssyncset.done $0x0  }
0x2c: {  	s12 =	simm.s32 $0x2000;
	s19 =	simm.s32 $0x1;
	[sflag:s14] =	ssyncadd.s32 $0xFFFFFF80  }
0x2d: {  	[tilespmem:s12], [sflag:$0x1] =	stream.indirect.gather [hbm4b:s3+s13], $0x40, s1, s13, $0xb8;
	[tilespmem:$0x12000] =	vst v63  }
0x2e: {  	_ =	swait.ge [sflag:s19], $0x2000  }
0x2f: {  	[sflag:s19] =	ssyncset.done $0x0  }
0x30: {  	s15 =	rddreg [dreg:$0x1b];
	[sflag:s19] =	ssyncadd.s32 $0xFFFFE000  }
0x31: {  	[hbm4b:s15+s1] =	stream.linear.scatter [tilespmem:s12], [sflag:$0x11], $0x2000, $0x38;
	[tilespmem:$0x12000] =	vst v63  }
0x32: {  	_ =	swait.ge [sflag:s14], $0x2000  }
0x33: {  	[sflag:s14] =	ssyncset.done $0x0  }
0x34: {  	s16 =	rddreg [dreg:$0x1c];
	[sflag:s14] =	ssyncadd.s32 $0xFFFFE000  }
0x35: {  	[tilespmem:s1], [sflag:$0x11] =	stream.linear.gather [hbm4b:s16+s1], $0x80, $0x38;
	[tilespmem:$0x12000] =	vst v63  }
0x36: {  	_ =	swait.ge [sflag:s14], $0x80  }
0x37: {  	[sflag:s14] =	ssyncset.done $0x0  }
0x38: {  	[sflag:s14] =	ssyncadd.s32 $0xFFFFFF80  }
0x39: {  	[tilespmem:s12], [sflag:$0x1] =	stream.indirect.gather [hbm4b:s4+s13], $0x40, s1, s13, $0xb8;
	[tilespmem:$0x12000] =	vst v63  }
0x3a: {  	_ =	swait.ge [sflag:s19], $0x2000  }
0x3b: {  	[sflag:s19] =	ssyncset.done $0x0  }
0x3c: {  	s17 =	rddreg [dreg:$0x1d];
	[sflag:s19] =	ssyncadd.s32 $0xFFFFE000  }
0x3d: {  	[hbm4b:s17+s1] =	stream.linear.scatter [tilespmem:s12], [sflag:$0x11], $0x2000, $0x38;
	[tilespmem:$0x12000] =	vst v63  }
0x3e: {  	_ =	swait.ge [sflag:s14], $0x2000  }
0x3f: {  	[sflag:s14] =	ssyncset.done $0x0  }
0x40: {  	s18 =	rddreg [dreg:$0x1e];
	[sflag:s14] =	ssyncadd.s32 $0xFFFFE000  }
0x41: {  	[tilespmem:s1], [sflag:$0x11] =	stream.linear.gather [hbm4b:s18+s1], $0x2000, $0x38;
	[tilespmem:$0x12000] =	vst v63  }
0x42: {  	_ =	swait.ge [sflag:s14], $0x2000  }
0x43: {  	[sflag:s14] =	ssyncset.done $0x0  }
0x44: {  	s20 =	simm.s32 $0x0;
	[sflag:s14] =	ssyncadd.s32 $0xFFFFE000  }
0x45: {  	[tilespmem:s12], [sflag:$0x1] =	stream.indirect.gather [hbm4b:s4+s13], $0x40, s20, s13, $0xb8;
	[tilespmem:$0x12000] =	vst v63  }
0x46: {  	s21 =	simm.s32 $0x80;
	s11 =	simm.s32 $0x4000  }
0x47: {  	[tilespmem:s11], [sflag:$0x2] =	stream.indirect.gather [hbm4b:s4+s13], $0x40, s21, s13, $0xb8;
	[tilespmem:$0x12000] =	vst v63  }
0x48: {  	s22 =	simm.s32 $0x100;
	s14 =	simm.s32 $0x6000  }
0x49: {  	[tilespmem:s14], [sflag:$0x3] =	stream.indirect.gather [hbm4b:s4+s13], $0x40, s22, s13, $0xb8;
	[tilespmem:$0x12000] =	vst v63  }
0x4a: {  	s23 =	simm.s32 $0x180;
	s16 =	simm.s32 $0x8000  }
0x4b: {  	[tilespmem:s16], [sflag:$0x4] =	stream.indirect.gather [hbm4b:s4+s13], $0x40, s23, s13, $0xb8;
	[tilespmem:$0x12000] =	vst v63  }
0x4c: {  	s24 =	simm.s32 $0x200;
	s17 =	simm.s32 $0xA000  }
0x4d: {  	[tilespmem:s17], [sflag:$0x5] =	stream.indirect.gather [hbm4b:s4+s13], $0x40, s24, s13, $0xb8;
	[tilespmem:$0x12000] =	vst v63  }
0x4e: {  	s15 =	simm.s32 $0x280;
	s18 =	simm.s32 $0xC000  }
0x4f: {  	[tilespmem:s18], [sflag:$0x6] =	stream.indirect.gather [hbm4b:s4+s13], $0x40, s15, s13, $0xb8;
	[tilespmem:$0x12000] =	vst v63  }
0x50: {  	s20 =	simm.s32 $0x300;
	s15 =	simm.s32 $0xE000  }
0x51: {  	[tilespmem:s15], [sflag:$0x7] =	stream.indirect.gather [hbm4b:s4+s13], $0x40, s20, s13, $0xb8;
	[tilespmem:$0x12000] =	vst v63  }
0x52: {  	s21 =	simm.s32 $0x380;
	s20 =	simm.s32 $0x10000  }
0x53: {  	[tilespmem:s20], [sflag:$0x8] =	stream.indirect.gather [hbm4b:s4+s13], $0x40, s21, s13, $0xb8;
	[tilespmem:$0x12000] =	vst v63  }
0x54: {  	_ =	swait.ge [sflag:s19], $0x2000  }
0x55: {  	s22 =	rddreg [dreg:$0xa];
	[sflag:s19] =	ssyncset.done $0x0  }
0x56: {  	s23 =	simm.s32 $0x2;
	[sflag:s19] =	ssyncadd.s32 $0xFFFFE000;
	s10 =	sadd.s32 $0x0, s22  }
0x57: {  	[hbm4b:s10+s1] =	stream.linear.scatter [tilespmem:s12], [sflag:$0x9], $0x2000, $0x38;
	[tilespmem:$0x12000] =	vst v63  }
0x58: {  	_ =	swait.ge [sflag:s23], $0x2000  }
0x59: {  	s24 =	rddreg [dreg:$0x10];
	[sflag:s23] =	ssyncset.done $0x0  }
0x5a: {  	[sflag:s23] =	ssyncadd.s32 $0xFFFFE000;
	s10 =	sadd.s32 $0x0, s24  }
0x5b: {  	[hbm4b:s10+s1] =	stream.linear.scatter [tilespmem:s11], [sflag:$0xA], $0x2000, $0x38;
	[tilespmem:$0x12000] =	vst v63  }
0x5c: {  	s10 =	simm.s32 $0x3  }
0x5d: {  	_ =	swait.ge [sflag:s10], $0x2000  }
0x5e: {  	s12 =	rddreg [dreg:$0xf];
	[sflag:s10] =	ssyncset.done $0x0  }
0x5f: {  	[sflag:s10] =	ssyncadd.s32 $0xFFFFE000;
	s10 =	sadd.s32 $0x0, s12  }
0x60: {  	[hbm4b:s10+s1] =	stream.linear.scatter [tilespmem:s14], [sflag:$0xB], $0x2000, $0x38;
	[tilespmem:$0x12000] =	vst v63  }
0x61: {  	_ =	swait.ge [sflag:s25], $0x2000  }
0x62: {  	s19 =	rddreg [dreg:$0xe];
	[sflag:s25] =	ssyncset.done $0x0  }
0x63: {  	[sflag:s25] =	ssyncadd.s32 $0xFFFFE000;
	s10 =	sadd.s32 $0x0, s19  }
0x64: {  	[hbm4b:s10+s1] =	stream.linear.scatter [tilespmem:s16], [sflag:$0xC], $0x2000, $0x38;
	[tilespmem:$0x12000] =	vst v63  }
0x65: {  	_ =	swait.ge [sflag:s26], $0x2000  }
0x66: {  	s21 =	rddreg [dreg:$0xd];
	[sflag:s26] =	ssyncset.done $0x0  }
0x67: {  	[sflag:s26] =	ssyncadd.s32 $0xFFFFE000;
	s10 =	sadd.s32 $0x0, s21  }
0x68: {  	[hbm4b:s10+s1] =	stream.linear.scatter [tilespmem:s17], [sflag:$0xD], $0x2000, $0x38;
	[tilespmem:$0x12000] =	vst v63  }
0x69: {  	_ =	swait.ge [sflag:s28], $0x2000  }
0x6a: {  	s22 =	rddreg [dreg:$0xc];
	[sflag:s28] =	ssyncset.done $0x0  }
0x6b: {  	[sflag:s28] =	ssyncadd.s32 $0xFFFFE000;
	s10 =	sadd.s32 $0x0, s22  }
0x6c: {  	[hbm4b:s10+s1] =	stream.linear.scatter [tilespmem:s18], [sflag:$0xE], $0x2000, $0x38;
	[tilespmem:$0x12000] =	vst v63  }
0x6d: {  	_ =	swait.ge [sflag:s29], $0x2000  }
0x6e: {  	s23 =	rddreg [dreg:$0xb];
	[sflag:s29] =	ssyncset.done $0x0  }
0x6f: {  	[sflag:s29] =	ssyncadd.s32 $0xFFFFE000;
	s10 =	sadd.s32 $0x0, s23  }
0x70: {  	[hbm4b:s10+s1] =	stream.linear.scatter [tilespmem:s15], [sflag:$0xF], $0x2000, $0x38;
	[tilespmem:$0x12000] =	vst v63  }
0x71: {  	_ =	swait.ge [sflag:s30], $0x2000  }
0x72: {  	s24 =	rddreg [dreg:$0x11];
	[sflag:s30] =	ssyncset.done $0x0  }
0x73: {  	[sflag:s30] =	ssyncadd.s32 $0xFFFFE000;
	s10 =	sadd.s32 $0x0, s24  }
0x74: {  	[hbm4b:s10+s1] =	stream.linear.scatter [tilespmem:s20], [sflag:$0x10], $0x2000, $0x38;
	[tilespmem:$0x12000] =	vst v63  }
0x75: {  	_ =	swait.ge [sflag:s31], $0x2000  }
0x76: {  	[sflag:s31] =	ssyncset.done $0x0  }
0x77: {  	[sflag:s31] =	ssyncadd.s32 $0xFFFFE000  }
0x78: {  	_ =	swait.ge [sflag:s0], $0x2000  }
0x79: {  	[sflag:s0] =	ssyncset.done $0x0  }
0x7a: {  	[sflag:s0] =	ssyncadd.s32 $0xFFFFE000  }
0x7b: {  	_ =	swait.ge [sflag:s2], $0x2000  }
0x7c: {  	[sflag:s2] =	ssyncset.done $0x0  }
0x7d: {  	[sflag:s2] =	ssyncadd.s32 $0xFFFFE000  }
0x7e: {  	_ =	swait.ge [sflag:s5], $0x2000  }
0x7f: {  	[sflag:s5] =	ssyncset.done $0x0  }
0x80: {  	[sflag:s5] =	ssyncadd.s32 $0xFFFFE000  }
0x81: {  	_ =	swait.ge [sflag:s6], $0x2000  }
0x82: {  	[sflag:s6] =	ssyncset.done $0x0  }
0x83: {  	[sflag:s6] =	ssyncadd.s32 $0xFFFFE000  }
0x84: {  	_ =	swait.ge [sflag:s7], $0x2000  }
0x85: {  	[sflag:s7] =	ssyncset.done $0x0  }
0x86: {  	[sflag:s7] =	ssyncadd.s32 $0xFFFFE000  }
0x87: {  	_ =	swait.ge [sflag:s8], $0x2000  }
0x88: {  	[sflag:s8] =	ssyncset.done $0x0  }
0x89: {  	[sflag:s8] =	ssyncadd.s32 $0xFFFFE000  }
0x8a: {  	s11 =	simm.s32 $0x2000;
	_ =	swait.ge [sflag:s9], $0x2000  }
0x8b: {  	s12 =	simm.s32 $0x4000;
	s10 =	simm.s32 $0x600;
	[sflag:s9] =	ssyncset.done $0x0  }
.LBB2_2:
0x8c: {  	s14 =	sadd.s32 $0xFFFFFE00, s10;
	[sflag:s9] =	ssyncadd.s32 $0xFFFFE000;
	s17 =	simm.s32 $0x2000  }
0x8d: {  	[tilespmem:s17], [sflag:$0x1] =	stream.indirect.gather [hbm4b:s4+s13], $0x40, s14, s13, $0xb8;
	[tilespmem:$0x12000] =	vst v63  }
0x8e: {  	s16 =	sadd.s32 $0xFFFFFE80, s10;
	s18 =	simm.s32 $0x4000  }
0x8f: {  	[tilespmem:s18], [sflag:$0x2] =	stream.indirect.gather [hbm4b:s4+s13], $0x40, s16, s13, $0xb8;
	[tilespmem:$0x12000] =	vst v63  }
0x90: {  	s21 =	sadd.s32 $0xFFFFFF00, s10;
	s19 =	simm.s32 $0x6000  }
0x91: {  	[tilespmem:s19], [sflag:$0x3] =	stream.indirect.gather [hbm4b:s4+s13], $0x40, s21, s13, $0xb8;
	[tilespmem:$0x12000] =	vst v63  }
0x92: {  	s22 =	sadd.s32 $0xFFFFFF80, s10;
	s20 =	simm.s32 $0x8000  }
0x93: {  	[tilespmem:s20], [sflag:$0x4] =	stream.indirect.gather [hbm4b:s4+s13], $0x40, s22, s13, $0xb8;
	[tilespmem:$0x12000] =	vst v63  }
0x94: {  	s21 =	simm.s32 $0xA000  }
0x95: {  	[tilespmem:s21], [sflag:$0x5] =	stream.indirect.gather [hbm4b:s4+s13], $0x40, s10, s13, $0xb8;
	[tilespmem:$0x12000] =	vst v63  }
0x96: {  	s23 =	sadd.s32 $0x80, s10;
	s22 =	simm.s32 $0xC000  }
0x97: {  	[tilespmem:s22], [sflag:$0x6] =	stream.indirect.gather [hbm4b:s4+s13], $0x40, s23, s13, $0xb8;
	[tilespmem:$0x12000] =	vst v63  }
0x98: {  	s24 =	sadd.s32 $0x100, s10;
	s15 =	simm.s32 $0xE000  }
0x99: {  	[tilespmem:s15], [sflag:$0x7] =	stream.indirect.gather [hbm4b:s4+s13], $0x40, s24, s13, $0xb8;
	[tilespmem:$0x12000] =	vst v63  }
0x9a: {  	s23 =	sadd.s32 $0x180, s10;
	s24 =	simm.s32 $0x10000  }
0x9b: {  	[tilespmem:s24], [sflag:$0x8] =	stream.indirect.gather [hbm4b:s4+s13], $0x40, s23, s13, $0xb8;
	[tilespmem:$0x12000] =	vst v63  }
0x9c: {  	s23 =	simm.s32 $0x1  }
0x9d: {  	_ =	swait.ge [sflag:s23], $0x2000  }
0x9e: {  	s16 =	rddreg [dreg:$0xa];
	[sflag:s23] =	ssyncset.done $0x0  }
0x9f: {  	[sflag:s23] =	ssyncadd.s32 $0xFFFFE000;
	s16 =	sadd.s32 s11, s16  }
0xa0: {  	[hbm4b:s16+s1] =	stream.linear.scatter [tilespmem:s17], [sflag:$0x9], $0x2000, $0x38;
	[tilespmem:$0x12000] =	vst v63  }
0xa1: {  	s16 =	simm.s32 $0x2  }
0xa2: {  	_ =	swait.ge [sflag:s16], $0x2000  }
0xa3: {  	s23 =	rddreg [dreg:$0x10];
	[sflag:s16] =	ssyncset.done $0x0  }
0xa4: {  	[sflag:s16] =	ssyncadd.s32 $0xFFFFE000;
	s16 =	sadd.s32 s11, s23  }
0xa5: {  	[hbm4b:s16+s1] =	stream.linear.scatter [tilespmem:s18], [sflag:$0xA], $0x2000, $0x38;
	[tilespmem:$0x12000] =	vst v63  }
0xa6: {  	s16 =	simm.s32 $0x3  }
0xa7: {  	_ =	swait.ge [sflag:s16], $0x2000  }
0xa8: {  	s18 =	rddreg [dreg:$0xf];
	[sflag:s16] =	ssyncset.done $0x0  }
0xa9: {  	[sflag:s16] =	ssyncadd.s32 $0xFFFFE000;
	s16 =	sadd.s32 s11, s18  }
0xaa: {  	[hbm4b:s16+s1] =	stream.linear.scatter [tilespmem:s19], [sflag:$0xB], $0x2000, $0x38;
	[tilespmem:$0x12000] =	vst v63  }
0xab: {  	_ =	swait.ge [sflag:s25], $0x2000  }
0xac: {  	s19 =	rddreg [dreg:$0xe];
	[sflag:s25] =	ssyncset.done $0x0  }
0xad: {  	[sflag:s25] =	ssyncadd.s32 $0xFFFFE000;
	s16 =	sadd.s32 s11, s19  }
0xae: {  	[hbm4b:s16+s1] =	stream.linear.scatter [tilespmem:s20], [sflag:$0xC], $0x2000, $0x38;
	[tilespmem:$0x12000] =	vst v63  }
0xaf: {  	_ =	swait.ge [sflag:s26], $0x2000  }
0xb0: {  	s20 =	rddreg [dreg:$0xd];
	[sflag:s26] =	ssyncset.done $0x0  }
0xb1: {  	[sflag:s26] =	ssyncadd.s32 $0xFFFFE000;
	s16 =	sadd.s32 s11, s20  }
0xb2: {  	[hbm4b:s16+s1] =	stream.linear.scatter [tilespmem:s21], [sflag:$0xD], $0x2000, $0x38;
	[tilespmem:$0x12000] =	vst v63  }
0xb3: {  	_ =	swait.ge [sflag:s28], $0x2000  }
0xb4: {  	s21 =	rddreg [dreg:$0xc];
	[sflag:s28] =	ssyncset.done $0x0  }
0xb5: {  	[sflag:s28] =	ssyncadd.s32 $0xFFFFE000;
	s16 =	sadd.s32 s11, s21  }
0xb6: {  	[hbm4b:s16+s1] =	stream.linear.scatter [tilespmem:s22], [sflag:$0xE], $0x2000, $0x38;
	[tilespmem:$0x12000] =	vst v63  }
0xb7: {  	_ =	swait.ge [sflag:s29], $0x2000  }
0xb8: {  	s22 =	rddreg [dreg:$0xb];
	[sflag:s29] =	ssyncset.done $0x0  }
0xb9: {  	[sflag:s29] =	ssyncadd.s32 $0xFFFFE000;
	s16 =	sadd.s32 s11, s22  }
0xba: {  	[hbm4b:s16+s1] =	stream.linear.scatter [tilespmem:s15], [sflag:$0xF], $0x2000, $0x38;
	[tilespmem:$0x12000] =	vst v63  }
0xbb: {  	_ =	swait.ge [sflag:s30], $0x2000  }
0xbc: {  	s23 =	rddreg [dreg:$0x11];
	[sflag:s30] =	ssyncset.done $0x0  }
0xbd: {  	[sflag:s30] =	ssyncadd.s32 $0xFFFFE000;
	s16 =	sadd.s32 s11, s23  }
0xbe: {  	[hbm4b:s16+s1] =	stream.linear.scatter [tilespmem:s24], [sflag:$0x10], $0x2000, $0x38;
	[tilespmem:$0x12000] =	vst v63  }
0xbf: {  	_ =	swait.ge [sflag:s31], $0x2000  }
0xc0: {  	[sflag:s31] =	ssyncset.done $0x0  }
0xc1: {  	[sflag:s31] =	ssyncadd.s32 $0xFFFFE000  }
0xc2: {  	_ =	swait.ge [sflag:s0], $0x2000  }
0xc3: {  	[sflag:s0] =	ssyncset.done $0x0  }
0xc4: {  	[sflag:s0] =	ssyncadd.s32 $0xFFFFE000  }
0xc5: {  	_ =	swait.ge [sflag:s2], $0x2000  }
0xc6: {  	[sflag:s2] =	ssyncset.done $0x0  }
0xc7: {  	[sflag:s2] =	ssyncadd.s32 $0xFFFFE000  }
0xc8: {  	_ =	swait.ge [sflag:s5], $0x2000  }
0xc9: {  	[sflag:s5] =	ssyncset.done $0x0  }
0xca: {  	[sflag:s5] =	ssyncadd.s32 $0xFFFFE000  }
0xcb: {  	_ =	swait.ge [sflag:s6], $0x2000  }
0xcc: {  	[sflag:s6] =	ssyncset.done $0x0  }
0xcd: {  	[sflag:s6] =	ssyncadd.s32 $0xFFFFE000  }
0xce: {  	_ =	swait.ge [sflag:s7], $0x2000  }
0xcf: {  	[sflag:s7] =	ssyncset.done $0x0  }
0xd0: {  	p0 =	sne.s32 s12, $0xE000;
	[sflag:s7] =	ssyncadd.s32 $0xFFFFE000  }
.Ltmp0:
0xd1: {  	_ =	swait.ge [sflag:s8], $0x2000;
	(pc) =	sbr.rel @p0 .LBB2_2-.Ltmp0, $4  }
0xd2: {  	[sflag:s8] =	ssyncset.done $0x0  }
0xd3: {  	[sflag:s8] =	ssyncadd.s32 $0xFFFFE000  }
0xd4: {  	s14 =	smov.u32 s12;
	s12 =	sadd.s32 $0x2000, s12;
	_ =	swait.ge [sflag:s9], $0x2000  }
0xd5: {  	s10 =	sadd.s32 $0x400, s10;
	s11 =	smov.u32 s14;
	[sflag:s9] =	ssyncset.done $0x0  }
0xd6: {  	s12 =	sadd.s32 $0xFFFFFE00, s10;
	[sflag:s9] =	ssyncadd.s32 $0xFFFFE000;
	s14 =	simm.s32 $0x2000  }
0xd7: {  	[tilespmem:s14], [sflag:$0x1] =	stream.indirect.gather [hbm4b:s4+s13], $0x40, s12, s13, $0xb8;
	[tilespmem:$0x12000] =	vst v63  }
0xd8: {  	s20 =	sadd.s32 $0xFFFFFE80, s10;
	s16 =	simm.s32 $0x4000  }
0xd9: {  	[tilespmem:s16], [sflag:$0x2] =	stream.indirect.gather [hbm4b:s4+s13], $0x40, s20, s13, $0xb8;
	[tilespmem:$0x12000] =	vst v63  }
0xda: {  	s21 =	sadd.s32 $0xFFFFFF00, s10;
	s17 =	simm.s32 $0x6000  }
0xdb: {  	[tilespmem:s17], [sflag:$0x3] =	stream.indirect.gather [hbm4b:s4+s13], $0x40, s21, s13, $0xb8;
	[tilespmem:$0x12000] =	vst v63  }
0xdc: {  	s22 =	sadd.s32 $0xFFFFFF80, s10;
	s18 =	simm.s32 $0x8000  }
0xdd: {  	[tilespmem:s18], [sflag:$0x4] =	stream.indirect.gather [hbm4b:s4+s13], $0x40, s22, s13, $0xb8;
	[tilespmem:$0x12000] =	vst v63  }
0xde: {  	s19 =	simm.s32 $0xA000  }
0xdf: {  	[tilespmem:s19], [sflag:$0x5] =	stream.indirect.gather [hbm4b:s4+s13], $0x40, s10, s13, $0xb8;
	[tilespmem:$0x12000] =	vst v63  }
0xe0: {  	s23 =	sadd.s32 $0x80, s10;
	s20 =	simm.s32 $0xC000  }
0xe1: {  	[tilespmem:s20], [sflag:$0x6] =	stream.indirect.gather [hbm4b:s4+s13], $0x40, s23, s13, $0xb8;
	[tilespmem:$0x12000] =	vst v63  }
0xe2: {  	s24 =	sadd.s32 $0x100, s10;
	s21 =	simm.s32 $0xE000  }
0xe3: {  	[tilespmem:s21], [sflag:$0x7] =	stream.indirect.gather [hbm4b:s4+s13], $0x40, s24, s13, $0xb8;
	[tilespmem:$0x12000] =	vst v63  }
0xe4: {  	s15 =	simm.s32 $0x10000;
	s12 =	sadd.s32 $0x180, s10  }
0xe5: {  	[tilespmem:s15], [sflag:$0x8] =	stream.indirect.gather [hbm4b:s4+s13], $0x40, s12, s13, $0xb8;
	[tilespmem:$0x12000] =	vst v63  }
0xe6: {  	s12 =	simm.s32 $0x1  }
0xe7: {  	_ =	swait.ge [sflag:s12], $0x2000  }
0xe8: {  	s22 =	rddreg [dreg:$0xa];
	[sflag:s12] =	ssyncset.done $0x0  }
0xe9: {  	[sflag:s12] =	ssyncadd.s32 $0xFFFFE000;
	s10 =	sadd.s32 s11, s22;
	s22 =	simm.s32 $0x2  }
0xea: {  	[hbm4b:s10+s1] =	stream.linear.scatter [tilespmem:s14], [sflag:$0x9], $0x2000, $0x38;
	[tilespmem:$0x12000] =	vst v63  }
0xeb: {  	_ =	swait.ge [sflag:s22], $0x2000  }
0xec: {  	s23 =	rddreg [dreg:$0x10];
	[sflag:s22] =	ssyncset.done $0x0  }
0xed: {  	[sflag:s22] =	ssyncadd.s32 $0xFFFFE000;
	s10 =	sadd.s32 s11, s23;
	s23 =	simm.s32 $0x3  }
0xee: {  	[hbm4b:s10+s1] =	stream.linear.scatter [tilespmem:s16], [sflag:$0xA], $0x2000, $0x38;
	[tilespmem:$0x12000] =	vst v63  }
0xef: {  	_ =	swait.ge [sflag:s23], $0x2000  }
0xf0: {  	s24 =	rddreg [dreg:$0xf];
	[sflag:s23] =	ssyncset.done $0x0  }
0xf1: {  	[sflag:s23] =	ssyncadd.s32 $0xFFFFE000;
	s10 =	sadd.s32 s11, s24  }
0xf2: {  	[hbm4b:s10+s1] =	stream.linear.scatter [tilespmem:s17], [sflag:$0xB], $0x2000, $0x38;
	[tilespmem:$0x12000] =	vst v63  }
0xf3: {  	_ =	swait.ge [sflag:s25], $0x2000  }
0xf4: {  	s24 =	rddreg [dreg:$0xe];
	[sflag:s25] =	ssyncset.done $0x0  }
0xf5: {  	[sflag:s25] =	ssyncadd.s32 $0xFFFFE000;
	s10 =	sadd.s32 s11, s24  }
0xf6: {  	[hbm4b:s10+s1] =	stream.linear.scatter [tilespmem:s18], [sflag:$0xC], $0x2000, $0x38;
	[tilespmem:$0x12000] =	vst v63  }
0xf7: {  	_ =	swait.ge [sflag:s26], $0x2000  }
0xf8: {  	s24 =	rddreg [dreg:$0xd];
	[sflag:s26] =	ssyncset.done $0x0  }
0xf9: {  	[sflag:s26] =	ssyncadd.s32 $0xFFFFE000;
	s10 =	sadd.s32 s11, s24  }
0xfa: {  	[hbm4b:s10+s1] =	stream.linear.scatter [tilespmem:s19], [sflag:$0xD], $0x2000, $0x38;
	[tilespmem:$0x12000] =	vst v63  }
0xfb: {  	_ =	swait.ge [sflag:s28], $0x2000  }
0xfc: {  	s24 =	rddreg [dreg:$0xc];
	[sflag:s28] =	ssyncset.done $0x0  }
0xfd: {  	[sflag:s28] =	ssyncadd.s32 $0xFFFFE000;
	s10 =	sadd.s32 s11, s24  }
0xfe: {  	[hbm4b:s10+s1] =	stream.linear.scatter [tilespmem:s20], [sflag:$0xE], $0x2000, $0x38;
	[tilespmem:$0x12000] =	vst v63  }
0xff: {  	_ =	swait.ge [sflag:s29], $0x2000  }
0x100: {  	s24 =	rddreg [dreg:$0xb];
	[sflag:s29] =	ssyncset.done $0x0  }
0x101: {  	[sflag:s29] =	ssyncadd.s32 $0xFFFFE000;
	s10 =	sadd.s32 s11, s24  }
0x102: {  	[hbm4b:s10+s1] =	stream.linear.scatter [tilespmem:s21], [sflag:$0xF], $0x2000, $0x38;
	[tilespmem:$0x12000] =	vst v63  }
0x103: {  	_ =	swait.ge [sflag:s30], $0x2000  }
0x104: {  	s24 =	rddreg [dreg:$0x11];
	[sflag:s30] =	ssyncset.done $0x0  }
0x105: {  	[sflag:s30] =	ssyncadd.s32 $0xFFFFE000;
	s10 =	sadd.s32 s11, s24  }
0x106: {  	[hbm4b:s10+s1] =	stream.linear.scatter [tilespmem:s15], [sflag:$0x10], $0x2000, $0x38;
	[tilespmem:$0x12000] =	vst v63  }
0x107: {  	_ =	swait.ge [sflag:s31], $0x2000  }
0x108: {  	[sflag:s31] =	ssyncset.done $0x0  }
0x109: {  	[sflag:s31] =	ssyncadd.s32 $0xFFFFE000  }
0x10a: {  	_ =	swait.ge [sflag:s0], $0x2000  }
0x10b: {  	[sflag:s0] =	ssyncset.done $0x0  }
0x10c: {  	[sflag:s0] =	ssyncadd.s32 $0xFFFFE000  }
0x10d: {  	_ =	swait.ge [sflag:s2], $0x2000  }
0x10e: {  	[sflag:s2] =	ssyncset.done $0x0  }
0x10f: {  	[sflag:s2] =	ssyncadd.s32 $0xFFFFE000  }
0x110: {  	_ =	swait.ge [sflag:s5], $0x2000  }
0x111: {  	[sflag:s5] =	ssyncset.done $0x0  }
0x112: {  	[sflag:s5] =	ssyncadd.s32 $0xFFFFE000  }
0x113: {  	_ =	swait.ge [sflag:s6], $0x2000  }
0x114: {  	[sflag:s6] =	ssyncset.done $0x0  }
0x115: {  	[sflag:s6] =	ssyncadd.s32 $0xFFFFE000  }
0x116: {  	_ =	swait.ge [sflag:s7], $0x2000  }
0x117: {  	[sflag:s7] =	ssyncset.done $0x0  }
0x118: {  	[sflag:s7] =	ssyncadd.s32 $0xFFFFE000  }
0x119: {  	_ =	swait.ge [sflag:s8], $0x2000  }
0x11a: {  	[sflag:s8] =	ssyncset.done $0x0  }
0x11b: {  	[sflag:s8] =	ssyncadd.s32 $0xFFFFE000  }
0x11c: {  	_ =	swait.ge [sflag:s9], $0x2000  }
0x11d: {  	[sflag:s9] =	ssyncset.done $0x0  }
0x11e: {  	s11 =	simm.s32 $0x0;
	s24 =	rddreg [dreg:$0x1f];
	[sflag:s9] =	ssyncadd.s32 $0xFFFFE000  }
0x11f: {  	[tilespmem:s11], [sflag:$0x11] =	stream.linear.gather [hbm4b:s24+s11], $0x2000, $0x38;
	[tilespmem:$0x12000] =	vst v63  }
0x120: {  	s24 =	simm.s32 $0x11  }
0x121: {  	_ =	swait.ge [sflag:s24], $0x2000  }
0x122: {  	[sflag:s24] =	ssyncset.done $0x0  }
0x123: {  	s11 =	simm.s32 $0x0;
	[sflag:s24] =	ssyncadd.s32 $0xFFFFE000  }
0x124: {  	[tilespmem:s14], [sflag:$0x1] =	stream.indirect.gather [hbm4b:s3+s13], $0x40, s11, s13, $0xb8;
	[tilespmem:$0x12000] =	vst v63  }
0x125: {  	s24 =	simm.s32 $0x80  }
0x126: {  	[tilespmem:s16], [sflag:$0x2] =	stream.indirect.gather [hbm4b:s3+s13], $0x40, s24, s13, $0xb8;
	[tilespmem:$0x12000] =	vst v63  }
0x127: {  	s11 =	simm.s32 $0x100  }
0x128: {  	[tilespmem:s17], [sflag:$0x3] =	stream.indirect.gather [hbm4b:s3+s13], $0x40, s11, s13, $0xb8;
	[tilespmem:$0x12000] =	vst v63  }
0x129: {  	s24 =	simm.s32 $0x180  }
0x12a: {  	[tilespmem:s18], [sflag:$0x4] =	stream.indirect.gather [hbm4b:s3+s13], $0x40, s24, s13, $0xb8;
	[tilespmem:$0x12000] =	vst v63  }
0x12b: {  	s11 =	simm.s32 $0x200  }
0x12c: {  	[tilespmem:s19], [sflag:$0x5] =	stream.indirect.gather [hbm4b:s3+s13], $0x40, s11, s13, $0xb8;
	[tilespmem:$0x12000] =	vst v63  }
0x12d: {  	s24 =	simm.s32 $0x280  }
0x12e: {  	[tilespmem:s20], [sflag:$0x6] =	stream.indirect.gather [hbm4b:s3+s13], $0x40, s24, s13, $0xb8;
	[tilespmem:$0x12000] =	vst v63  }
0x12f: {  	s11 =	simm.s32 $0x300  }
0x130: {  	[tilespmem:s21], [sflag:$0x7] =	stream.indirect.gather [hbm4b:s3+s13], $0x40, s11, s13, $0xb8;
	[tilespmem:$0x12000] =	vst v63  }
0x131: {  	s24 =	simm.s32 $0x380  }
0x132: {  	[tilespmem:s15], [sflag:$0x8] =	stream.indirect.gather [hbm4b:s3+s13], $0x40, s24, s13, $0xb8;
	[tilespmem:$0x12000] =	vst v63  }
0x133: {  	_ =	swait.ge [sflag:s12], $0x2000  }
0x134: {  	s11 =	rddreg [dreg:$0x12];
	[sflag:s12] =	ssyncset.done $0x0  }
0x135: {  	[sflag:s12] =	ssyncadd.s32 $0xFFFFE000;
	s10 =	sadd.s32 $0x0, s11  }
0x136: {  	[hbm4b:s10+s1] =	stream.linear.scatter [tilespmem:s14], [sflag:$0x9], $0x2000, $0x38;
	[tilespmem:$0x12000] =	vst v63  }
0x137: {  	_ =	swait.ge [sflag:s22], $0x2000  }
0x138: {  	s14 =	rddreg [dreg:$0x18];
	[sflag:s22] =	ssyncset.done $0x0  }
0x139: {  	[sflag:s22] =	ssyncadd.s32 $0xFFFFE000;
	s10 =	sadd.s32 $0x0, s14  }
0x13a: {  	[hbm4b:s10+s1] =	stream.linear.scatter [tilespmem:s16], [sflag:$0xA], $0x2000, $0x38;
	[tilespmem:$0x12000] =	vst v63  }
0x13b: {  	_ =	swait.ge [sflag:s23], $0x2000  }
0x13c: {  	s16 =	rddreg [dreg:$0x17];
	[sflag:s23] =	ssyncset.done $0x0  }
0x13d: {  	[sflag:s23] =	ssyncadd.s32 $0xFFFFE000;
	s10 =	sadd.s32 $0x0, s16  }
0x13e: {  	[hbm4b:s10+s1] =	stream.linear.scatter [tilespmem:s17], [sflag:$0xB], $0x2000, $0x38;
	[tilespmem:$0x12000] =	vst v63  }
0x13f: {  	_ =	swait.ge [sflag:s25], $0x2000  }
0x140: {  	s17 =	rddreg [dreg:$0x16];
	[sflag:s25] =	ssyncset.done $0x0  }
0x141: {  	[sflag:s25] =	ssyncadd.s32 $0xFFFFE000;
	s10 =	sadd.s32 $0x0, s17  }
0x142: {  	[hbm4b:s10+s1] =	stream.linear.scatter [tilespmem:s18], [sflag:$0xC], $0x2000, $0x38;
	[tilespmem:$0x12000] =	vst v63  }
0x143: {  	_ =	swait.ge [sflag:s26], $0x2000  }
0x144: {  	s18 =	rddreg [dreg:$0x15];
	[sflag:s26] =	ssyncset.done $0x0  }
0x145: {  	[sflag:s26] =	ssyncadd.s32 $0xFFFFE000;
	s10 =	sadd.s32 $0x0, s18  }
0x146: {  	[hbm4b:s10+s1] =	stream.linear.scatter [tilespmem:s19], [sflag:$0xD], $0x2000, $0x38;
	[tilespmem:$0x12000] =	vst v63  }
0x147: {  	_ =	swait.ge [sflag:s28], $0x2000  }
0x148: {  	s22 =	rddreg [dreg:$0x14];
	[sflag:s28] =	ssyncset.done $0x0  }
0x149: {  	[sflag:s28] =	ssyncadd.s32 $0xFFFFE000;
	s10 =	sadd.s32 $0x0, s22  }
0x14a: {  	[hbm4b:s10+s1] =	stream.linear.scatter [tilespmem:s20], [sflag:$0xE], $0x2000, $0x38;
	[tilespmem:$0x12000] =	vst v63  }
0x14b: {  	_ =	swait.ge [sflag:s29], $0x2000  }
0x14c: {  	s23 =	rddreg [dreg:$0x13];
	[sflag:s29] =	ssyncset.done $0x0  }
0x14d: {  	[sflag:s29] =	ssyncadd.s32 $0xFFFFE000;
	s10 =	sadd.s32 $0x0, s23  }
0x14e: {  	[hbm4b:s10+s1] =	stream.linear.scatter [tilespmem:s21], [sflag:$0xF], $0x2000, $0x38;
	[tilespmem:$0x12000] =	vst v63  }
0x14f: {  	_ =	swait.ge [sflag:s30], $0x2000  }
0x150: {  	s24 =	rddreg [dreg:$0x19];
	[sflag:s30] =	ssyncset.done $0x0  }
0x151: {  	[sflag:s30] =	ssyncadd.s32 $0xFFFFE000;
	s10 =	sadd.s32 $0x0, s24  }
0x152: {  	[hbm4b:s10+s1] =	stream.linear.scatter [tilespmem:s15], [sflag:$0x10], $0x2000, $0x38;
	[tilespmem:$0x12000] =	vst v63  }
0x153: {  	_ =	swait.ge [sflag:s31], $0x2000  }
0x154: {  	[sflag:s31] =	ssyncset.done $0x0  }
0x155: {  	[sflag:s31] =	ssyncadd.s32 $0xFFFFE000  }
0x156: {  	_ =	swait.ge [sflag:s0], $0x2000  }
0x157: {  	[sflag:s0] =	ssyncset.done $0x0  }
0x158: {  	[sflag:s0] =	ssyncadd.s32 $0xFFFFE000  }
0x159: {  	_ =	swait.ge [sflag:s2], $0x2000  }
0x15a: {  	[sflag:s2] =	ssyncset.done $0x0  }
0x15b: {  	[sflag:s2] =	ssyncadd.s32 $0xFFFFE000  }
0x15c: {  	_ =	swait.ge [sflag:s5], $0x2000  }
0x15d: {  	[sflag:s5] =	ssyncset.done $0x0  }
0x15e: {  	[sflag:s5] =	ssyncadd.s32 $0xFFFFE000  }
0x15f: {  	_ =	swait.ge [sflag:s6], $0x2000  }
0x160: {  	[sflag:s6] =	ssyncset.done $0x0  }
0x161: {  	[sflag:s6] =	ssyncadd.s32 $0xFFFFE000  }
0x162: {  	_ =	swait.ge [sflag:s7], $0x2000  }
0x163: {  	[sflag:s7] =	ssyncset.done $0x0  }
0x164: {  	[sflag:s7] =	ssyncadd.s32 $0xFFFFE000  }
0x165: {  	_ =	swait.ge [sflag:s8], $0x2000  }
0x166: {  	[sflag:s8] =	ssyncset.done $0x0  }
0x167: {  	[sflag:s8] =	ssyncadd.s32 $0xFFFFE000  }
0x168: {  	s11 =	simm.s32 $0x2000;
	_ =	swait.ge [sflag:s9], $0x2000  }
0x169: {  	s12 =	simm.s32 $0x4000;
	s10 =	simm.s32 $0x600;
	[sflag:s9] =	ssyncset.done $0x0  }
.LBB2_4:
0x16a: {  	s14 =	sadd.s32 $0xFFFFFE00, s10;
	[sflag:s9] =	ssyncadd.s32 $0xFFFFE000;
	s17 =	simm.s32 $0x2000  }
0x16b: {  	[tilespmem:s17], [sflag:$0x1] =	stream.indirect.gather [hbm4b:s3+s13], $0x40, s14, s13, $0xb8;
	[tilespmem:$0x12000] =	vst v63  }
0x16c: {  	s16 =	sadd.s32 $0xFFFFFE80, s10;
	s18 =	simm.s32 $0x4000  }
0x16d: {  	[tilespmem:s18], [sflag:$0x2] =	stream.indirect.gather [hbm4b:s3+s13], $0x40, s16, s13, $0xb8;
	[tilespmem:$0x12000] =	vst v63  }
0x16e: {  	s21 =	sadd.s32 $0xFFFFFF00, s10;
	s19 =	simm.s32 $0x6000  }
0x16f: {  	[tilespmem:s19], [sflag:$0x3] =	stream.indirect.gather [hbm4b:s3+s13], $0x40, s21, s13, $0xb8;
	[tilespmem:$0x12000] =	vst v63  }
0x170: {  	s22 =	sadd.s32 $0xFFFFFF80, s10;
	s20 =	simm.s32 $0x8000  }
0x171: {  	[tilespmem:s20], [sflag:$0x4] =	stream.indirect.gather [hbm4b:s3+s13], $0x40, s22, s13, $0xb8;
	[tilespmem:$0x12000] =	vst v63  }
0x172: {  	s21 =	simm.s32 $0xA000  }
0x173: {  	[tilespmem:s21], [sflag:$0x5] =	stream.indirect.gather [hbm4b:s3+s13], $0x40, s10, s13, $0xb8;
	[tilespmem:$0x12000] =	vst v63  }
0x174: {  	s23 =	sadd.s32 $0x80, s10;
	s22 =	simm.s32 $0xC000  }
0x175: {  	[tilespmem:s22], [sflag:$0x6] =	stream.indirect.gather [hbm4b:s3+s13], $0x40, s23, s13, $0xb8;
	[tilespmem:$0x12000] =	vst v63  }
0x176: {  	s24 =	sadd.s32 $0x100, s10;
	s15 =	simm.s32 $0xE000  }
0x177: {  	[tilespmem:s15], [sflag:$0x7] =	stream.indirect.gather [hbm4b:s3+s13], $0x40, s24, s13, $0xb8;
	[tilespmem:$0x12000] =	vst v63  }
0x178: {  	s23 =	sadd.s32 $0x180, s10;
	s24 =	simm.s32 $0x10000  }
0x179: {  	[tilespmem:s24], [sflag:$0x8] =	stream.indirect.gather [hbm4b:s3+s13], $0x40, s23, s13, $0xb8;
	[tilespmem:$0x12000] =	vst v63  }
0x17a: {  	s23 =	simm.s32 $0x1  }
0x17b: {  	_ =	swait.ge [sflag:s23], $0x2000  }
0x17c: {  	s16 =	rddreg [dreg:$0x12];
	[sflag:s23] =	ssyncset.done $0x0  }
0x17d: {  	[sflag:s23] =	ssyncadd.s32 $0xFFFFE000;
	s16 =	sadd.s32 s11, s16  }
0x17e: {  	[hbm4b:s16+s1] =	stream.linear.scatter [tilespmem:s17], [sflag:$0x9], $0x2000, $0x38;
	[tilespmem:$0x12000] =	vst v63  }
0x17f: {  	s16 =	simm.s32 $0x2  }
0x180: {  	_ =	swait.ge [sflag:s16], $0x2000  }
0x181: {  	s23 =	rddreg [dreg:$0x18];
	[sflag:s16] =	ssyncset.done $0x0  }
0x182: {  	[sflag:s16] =	ssyncadd.s32 $0xFFFFE000;
	s16 =	sadd.s32 s11, s23  }
0x183: {  	[hbm4b:s16+s1] =	stream.linear.scatter [tilespmem:s18], [sflag:$0xA], $0x2000, $0x38;
	[tilespmem:$0x12000] =	vst v63  }
0x184: {  	s16 =	simm.s32 $0x3  }
0x185: {  	_ =	swait.ge [sflag:s16], $0x2000  }
0x186: {  	s18 =	rddreg [dreg:$0x17];
	[sflag:s16] =	ssyncset.done $0x0  }
0x187: {  	[sflag:s16] =	ssyncadd.s32 $0xFFFFE000;
	s16 =	sadd.s32 s11, s18  }
0x188: {  	[hbm4b:s16+s1] =	stream.linear.scatter [tilespmem:s19], [sflag:$0xB], $0x2000, $0x38;
	[tilespmem:$0x12000] =	vst v63  }
0x189: {  	_ =	swait.ge [sflag:s25], $0x2000  }
0x18a: {  	s19 =	rddreg [dreg:$0x16];
	[sflag:s25] =	ssyncset.done $0x0  }
0x18b: {  	[sflag:s25] =	ssyncadd.s32 $0xFFFFE000;
	s16 =	sadd.s32 s11, s19  }
0x18c: {  	[hbm4b:s16+s1] =	stream.linear.scatter [tilespmem:s20], [sflag:$0xC], $0x2000, $0x38;
	[tilespmem:$0x12000] =	vst v63  }
0x18d: {  	_ =	swait.ge [sflag:s26], $0x2000  }
0x18e: {  	s20 =	rddreg [dreg:$0x15];
	[sflag:s26] =	ssyncset.done $0x0  }
0x18f: {  	[sflag:s26] =	ssyncadd.s32 $0xFFFFE000;
	s16 =	sadd.s32 s11, s20  }
0x190: {  	[hbm4b:s16+s1] =	stream.linear.scatter [tilespmem:s21], [sflag:$0xD], $0x2000, $0x38;
	[tilespmem:$0x12000] =	vst v63  }
0x191: {  	_ =	swait.ge [sflag:s28], $0x2000  }
0x192: {  	s21 =	rddreg [dreg:$0x14];
	[sflag:s28] =	ssyncset.done $0x0  }
0x193: {  	[sflag:s28] =	ssyncadd.s32 $0xFFFFE000;
	s16 =	sadd.s32 s11, s21  }
0x194: {  	[hbm4b:s16+s1] =	stream.linear.scatter [tilespmem:s22], [sflag:$0xE], $0x2000, $0x38;
	[tilespmem:$0x12000] =	vst v63  }
0x195: {  	_ =	swait.ge [sflag:s29], $0x2000  }
0x196: {  	s22 =	rddreg [dreg:$0x13];
	[sflag:s29] =	ssyncset.done $0x0  }
0x197: {  	[sflag:s29] =	ssyncadd.s32 $0xFFFFE000;
	s16 =	sadd.s32 s11, s22  }
0x198: {  	[hbm4b:s16+s1] =	stream.linear.scatter [tilespmem:s15], [sflag:$0xF], $0x2000, $0x38;
	[tilespmem:$0x12000] =	vst v63  }
0x199: {  	_ =	swait.ge [sflag:s30], $0x2000  }
0x19a: {  	s23 =	rddreg [dreg:$0x19];
	[sflag:s30] =	ssyncset.done $0x0  }
0x19b: {  	[sflag:s30] =	ssyncadd.s32 $0xFFFFE000;
	s16 =	sadd.s32 s11, s23  }
0x19c: {  	[hbm4b:s16+s1] =	stream.linear.scatter [tilespmem:s24], [sflag:$0x10], $0x2000, $0x38;
	[tilespmem:$0x12000] =	vst v63  }
0x19d: {  	_ =	swait.ge [sflag:s31], $0x2000  }
0x19e: {  	[sflag:s31] =	ssyncset.done $0x0  }
0x19f: {  	[sflag:s31] =	ssyncadd.s32 $0xFFFFE000  }
0x1a0: {  	_ =	swait.ge [sflag:s0], $0x2000  }
0x1a1: {  	[sflag:s0] =	ssyncset.done $0x0  }
0x1a2: {  	[sflag:s0] =	ssyncadd.s32 $0xFFFFE000  }
0x1a3: {  	_ =	swait.ge [sflag:s2], $0x2000  }
0x1a4: {  	[sflag:s2] =	ssyncset.done $0x0  }
0x1a5: {  	[sflag:s2] =	ssyncadd.s32 $0xFFFFE000  }
0x1a6: {  	_ =	swait.ge [sflag:s5], $0x2000  }
0x1a7: {  	[sflag:s5] =	ssyncset.done $0x0  }
0x1a8: {  	[sflag:s5] =	ssyncadd.s32 $0xFFFFE000  }
0x1a9: {  	_ =	swait.ge [sflag:s6], $0x2000  }
0x1aa: {  	[sflag:s6] =	ssyncset.done $0x0  }
0x1ab: {  	[sflag:s6] =	ssyncadd.s32 $0xFFFFE000  }
0x1ac: {  	_ =	swait.ge [sflag:s7], $0x2000  }
0x1ad: {  	[sflag:s7] =	ssyncset.done $0x0  }
0x1ae: {  	p0 =	sne.s32 s12, $0xE000;
	[sflag:s7] =	ssyncadd.s32 $0xFFFFE000  }
.Ltmp1:
0x1af: {  	_ =	swait.ge [sflag:s8], $0x2000;
	(pc) =	sbr.rel @p0 .LBB2_4-.Ltmp1, $4  }
0x1b0: {  	[sflag:s8] =	ssyncset.done $0x0  }
0x1b1: {  	[sflag:s8] =	ssyncadd.s32 $0xFFFFE000  }
0x1b2: {  	s14 =	smov.u32 s12;
	s12 =	sadd.s32 $0x2000, s12;
	_ =	swait.ge [sflag:s9], $0x2000  }
0x1b3: {  	s10 =	sadd.s32 $0x400, s10;
	s11 =	smov.u32 s14;
	[sflag:s9] =	ssyncset.done $0x0  }
0x1b4: {  	s12 =	sadd.s32 $0xFFFFFE00, s10;
	[sflag:s9] =	ssyncadd.s32 $0xFFFFE000;
	s14 =	simm.s32 $0x2000  }
0x1b5: {  	[tilespmem:s14], [sflag:$0x1] =	stream.indirect.gather [hbm4b:s3+s13], $0x40, s12, s13, $0xb8;
	[tilespmem:$0x12000] =	vst v63  }
0x1b6: {  	s19 =	sadd.s32 $0xFFFFFE80, s10;
	s16 =	simm.s32 $0x4000  }
0x1b7: {  	[tilespmem:s16], [sflag:$0x2] =	stream.indirect.gather [hbm4b:s3+s13], $0x40, s19, s13, $0xb8;
	[tilespmem:$0x12000] =	vst v63  }
0x1b8: {  	s20 =	sadd.s32 $0xFFFFFF00, s10;
	s17 =	simm.s32 $0x6000  }
0x1b9: {  	[tilespmem:s17], [sflag:$0x3] =	stream.indirect.gather [hbm4b:s3+s13], $0x40, s20, s13, $0xb8;
	[tilespmem:$0x12000] =	vst v63  }
0x1ba: {  	s21 =	sadd.s32 $0xFFFFFF80, s10;
	s18 =	simm.s32 $0x8000  }
0x1bb: {  	[tilespmem:s18], [sflag:$0x4] =	stream.indirect.gather [hbm4b:s3+s13], $0x40, s21, s13, $0xb8;
	[tilespmem:$0x12000] =	vst v63  }
0x1bc: {  	s19 =	simm.s32 $0xA000  }
0x1bd: {  	[tilespmem:s19], [sflag:$0x5] =	stream.indirect.gather [hbm4b:s3+s13], $0x40, s10, s13, $0xb8;
	[tilespmem:$0x12000] =	vst v63  }
0x1be: {  	s22 =	sadd.s32 $0x80, s10;
	s20 =	simm.s32 $0xC000  }
0x1bf: {  	[tilespmem:s20], [sflag:$0x6] =	stream.indirect.gather [hbm4b:s3+s13], $0x40, s22, s13, $0xb8;
	[tilespmem:$0x12000] =	vst v63  }
0x1c0: {  	s23 =	sadd.s32 $0x100, s10;
	s15 =	simm.s32 $0xE000  }
0x1c1: {  	[tilespmem:s15], [sflag:$0x7] =	stream.indirect.gather [hbm4b:s3+s13], $0x40, s23, s13, $0xb8;
	[tilespmem:$0x12000] =	vst v63  }
0x1c2: {  	s24 =	sadd.s32 $0x180, s10;
	s21 =	simm.s32 $0x10000;
	s10 =	simm.s32 $0x1  }
0x1c3: {  	[tilespmem:s21], [sflag:$0x8] =	stream.indirect.gather [hbm4b:s3+s13], $0x40, s24, s13, $0xb8;
	[tilespmem:$0x12000] =	vst v63  }
0x1c4: {  	_ =	swait.ge [sflag:s10], $0x2000  }
0x1c5: {  	s22 =	rddreg [dreg:$0x12];
	[sflag:s10] =	ssyncset.done $0x0  }
0x1c6: {  	s23 =	simm.s32 $0x2;
	[sflag:s10] =	ssyncadd.s32 $0xFFFFE000;
	s10 =	sadd.s32 s11, s22  }
0x1c7: {  	[hbm4b:s10+s1] =	stream.linear.scatter [tilespmem:s14], [sflag:$0x9], $0x2000, $0x38;
	[tilespmem:$0x12000] =	vst v63  }
0x1c8: {  	_ =	swait.ge [sflag:s23], $0x2000  }
0x1c9: {  	s24 =	rddreg [dreg:$0x18];
	[sflag:s23] =	ssyncset.done $0x0  }
0x1ca: {  	s14 =	simm.s32 $0x3;
	[sflag:s23] =	ssyncadd.s32 $0xFFFFE000;
	s10 =	sadd.s32 s11, s24  }
0x1cb: {  	[hbm4b:s10+s1] =	stream.linear.scatter [tilespmem:s16], [sflag:$0xA], $0x2000, $0x38;
	[tilespmem:$0x12000] =	vst v63  }
0x1cc: {  	_ =	swait.ge [sflag:s14], $0x2000  }
0x1cd: {  	s16 =	rddreg [dreg:$0x17];
	[sflag:s14] =	ssyncset.done $0x0  }
0x1ce: {  	[sflag:s14] =	ssyncadd.s32 $0xFFFFE000;
	s10 =	sadd.s32 s11, s16  }
0x1cf: {  	[hbm4b:s10+s1] =	stream.linear.scatter [tilespmem:s17], [sflag:$0xB], $0x2000, $0x38;
	[tilespmem:$0x12000] =	vst v63  }
0x1d0: {  	_ =	swait.ge [sflag:s25], $0x2000  }
0x1d1: {  	s17 =	rddreg [dreg:$0x16];
	[sflag:s25] =	ssyncset.done $0x0  }
0x1d2: {  	[sflag:s25] =	ssyncadd.s32 $0xFFFFE000;
	s10 =	sadd.s32 s11, s17  }
0x1d3: {  	[hbm4b:s10+s1] =	stream.linear.scatter [tilespmem:s18], [sflag:$0xC], $0x2000, $0x38;
	[tilespmem:$0x12000] =	vst v63  }
0x1d4: {  	_ =	swait.ge [sflag:s26], $0x2000  }
0x1d5: {  	s18 =	rddreg [dreg:$0x15];
	[sflag:s26] =	ssyncset.done $0x0  }
0x1d6: {  	[sflag:s26] =	ssyncadd.s32 $0xFFFFE000;
	s10 =	sadd.s32 s11, s18  }
0x1d7: {  	[hbm4b:s10+s1] =	stream.linear.scatter [tilespmem:s19], [sflag:$0xD], $0x2000, $0x38;
	[tilespmem:$0x12000] =	vst v63  }
0x1d8: {  	_ =	swait.ge [sflag:s28], $0x2000  }
0x1d9: {  	s19 =	rddreg [dreg:$0x14];
	[sflag:s28] =	ssyncset.done $0x0  }
0x1da: {  	[sflag:s28] =	ssyncadd.s32 $0xFFFFE000;
	s10 =	sadd.s32 s11, s19  }
0x1db: {  	[hbm4b:s10+s1] =	stream.linear.scatter [tilespmem:s20], [sflag:$0xE], $0x2000, $0x38;
	[tilespmem:$0x12000] =	vst v63  }
0x1dc: {  	_ =	swait.ge [sflag:s29], $0x2000  }
0x1dd: {  	s20 =	rddreg [dreg:$0x13];
	[sflag:s29] =	ssyncset.done $0x0  }
0x1de: {  	[sflag:s29] =	ssyncadd.s32 $0xFFFFE000;
	s10 =	sadd.s32 s11, s20  }
0x1df: {  	[hbm4b:s10+s1] =	stream.linear.scatter [tilespmem:s15], [sflag:$0xF], $0x2000, $0x38;
	[tilespmem:$0x12000] =	vst v63  }
0x1e0: {  	_ =	swait.ge [sflag:s30], $0x2000  }
0x1e1: {  	s22 =	rddreg [dreg:$0x19];
	[sflag:s30] =	ssyncset.done $0x0  }
0x1e2: {  	s10 =	sadd.s32 s11, s22;
	[sflag:s30] =	ssyncadd.s32 $0xFFFFE000  }
0x1e3: {  	[hbm4b:s10+s1] =	stream.linear.scatter [tilespmem:s21], [sflag:$0x10], $0x2000, $0x38;
	[tilespmem:$0x12000] =	vst v63  }
0x1e4: {  	_ =	swait.ge [sflag:s31], $0x2000  }
0x1e5: {  	[sflag:s31] =	ssyncset.done $0x0  }
0x1e6: {  	[sflag:s31] =	ssyncadd.s32 $0xFFFFE000  }
0x1e7: {  	_ =	swait.ge [sflag:s0], $0x2000  }
0x1e8: {  	[sflag:s0] =	ssyncset.done $0x0  }
0x1e9: {  	[sflag:s0] =	ssyncadd.s32 $0xFFFFE000  }
0x1ea: {  	_ =	swait.ge [sflag:s2], $0x2000  }
0x1eb: {  	[sflag:s2] =	ssyncset.done $0x0  }
0x1ec: {  	[sflag:s2] =	ssyncadd.s32 $0xFFFFE000  }
0x1ed: {  	_ =	swait.ge [sflag:s5], $0x2000  }
0x1ee: {  	[sflag:s5] =	ssyncset.done $0x0  }
0x1ef: {  	[sflag:s5] =	ssyncadd.s32 $0xFFFFE000  }
0x1f0: {  	_ =	swait.ge [sflag:s6], $0x2000  }
0x1f1: {  	[sflag:s6] =	ssyncset.done $0x0  }
0x1f2: {  	[sflag:s6] =	ssyncadd.s32 $0xFFFFE000  }
0x1f3: {  	_ =	swait.ge [sflag:s7], $0x2000  }
0x1f4: {  	[sflag:s7] =	ssyncset.done $0x0  }
0x1f5: {  	[sflag:s7] =	ssyncadd.s32 $0xFFFFE000  }
0x1f6: {  	_ =	swait.ge [sflag:s8], $0x2000  }
0x1f7: {  	[sflag:s8] =	ssyncset.done $0x0  }
0x1f8: {  	[sflag:s8] =	ssyncadd.s32 $0xFFFFE000  }
0x1f9: {  	_ =	swait.ge [sflag:s9], $0x2000  }
0x1fa: {  	s23 =	sld [smem:$0x7FC]  }
0x1fb: {  	s24 =	sld [smem:$0x7FD];
	_ =	sdelay $0x1  }
0x1fc: {  	s11 =	sadd.s32 $0x1, s23  }
0x1fd: {  	p0 =	sne.s32 s11, s24  }
.Ltmp2:
0x1fe: {  	_ = 	snop;
	(pc) =	sbr.rel @p0 .LBB2_1-.Ltmp2, $3  }
0x1ff: {  	_ =	sdelay $0x1  }
0x200: {  	[sflag:s9] =	ssyncset.done $0x0  }
0x201: {  	[sflag:s9] =	ssyncadd.s32 $0xFFFFE000  }
0x202: {  	_ =	sfence.sel $0x180000  }
0x203: {  	[bflag:$0x0] =	sbarrier.arrive $0xFFFF  }
0x204: {  	_ =	strace $0x90000047  }
0x205: {  	s0 =	stileid.u32;
	[bflag:$0x2] =	sbarrier.arrive $0xFFFF  }
0x206: {  	p0 =	sne.s32 s0, $0x0;
	s0 =	rddreg [dreg:$0x9]  }
0x207: {  	s0 =	sadd.s32 @!p0 $0x100000, s0  }
0x208: {  	[sflag:s0] =	ssyncadd.tile.s32 @!p0 $0x1;
	_ =	shalt  }
.Lfunc_end2:
_tile_overlayer_lowered:
.L_overlay_start_2:
0x209: {  	(tag) =	ssettag $0x2  }
0x20a: {  	s0 =	rddreg [dreg:$0x0];
	s2 =	stileid.u32  }
0x20b: {  	s1 =	rddreg [dreg:$0x1];
	p0 =	sne.s32 s2, $0x0  }
0x20c: {  	s3 =	rddreg [dreg:$0x2];
	[bflag:$0x3] =	sbarrier.arrive $0xFFFF;
	s2 =	simm.s32 @!p0 $0x1C11  }
0x20d: {  	[timem:s3], [sflag:s2] =	dma.local @!p0 [hbm:s0], s1  }
0x20e: {  	s0 =	simm.s32 @!p0 $0x11  }
0x20f: {  	_ =	swait.ge @!p0 [sflag:s0], s1  }
0x210: {  	s1 =	ssub.s32 @!p0 $0x0, s1;
	[sflag:s0] =	ssyncset.done @!p0 $0x0  }
0x211: {  	[sflag:s0] =	ssyncadd.s32 @!p0 s1  }
0x212: {  	[bflag:$0x3] =	sbarrier.arrive $0xFFFF  }
0x213: {  	_ =	shalt  }

// kernel: sparse-core-data-format-call.1.cloned.1.call-start
scs
called_computation.1_lowered:
.L_overlay_start_0:
0x0: {  	s2 =	sld [smem:$0x3FD9]  }
0x1: {  	s3 =	sld [smem:$0x3FFE];
	_ =	sdelay $0x1  }
0x2: {  	s1 =	srdreg.scid  }
0x3: {  	s0 =	sand.u32 $0x1, s1  }
0x4: {  	s15 =	sshll.u32 s0, $0xA;
	s2 =	sadd.s32 s3, s2  }
0x5: {  	s2 =	sadd.s32 s2, s15  }
0x6: {  	[smem:$0x3FC2] =	sst s2  }
0x7: {  	_ = 	snop  }
0x8: {  	s2 =	sld [smem:$0x3FD0];
	_ =	sdelay $0x2  }
0x9: {  	s16 =	simm.s32 $0xB;
	s4 =	simm.s32 $0x10  }
0xa: {  	[smem:s4], [sflag:s16] =	dma.local [hbm:s2], $0x1  }
0xb: {  	_ =	swait.eq [sflag:s16], $0x1  }
0xc: {  	[sflag:s16] =	ssyncset.done $0x0  }
0xd: {  	[sflag:s16] =	ssyncadd.s32 $0xFFFFFFFF  }
0xe: {  	s17 =	sld [smem:$0x12];
	(tm) =	ssettm $0x1  }
0xf: {  	s18 =	sld [smem:$0x3FFB];
	_ =	sdelay $0x3  }
0x10: {  	_ =	strace s18  }
0x11: {  	s3 =	sld [smem:$0x3FFC];
	_ =	sdelay $0x3  }
0x12: {  	_ =	strace s3  }
0x13: {  	s3 =	sld [smem:$0x3FFD];
	_ =	sdelay $0x3  }
0x14: {  	_ =	strace s3  }
0x15: {  	_ =	strace $0x8FFFFFFF  }
0x16: {  	s19 =	sld [smem:$0x3FDB];
	_ =	sdelay $0x1  }
0x17: {  	s20 =	simm.s32 $_scs_section_size  }
0x18: {  	s5 =	simm.s32 $_size__tile_overlayer_lowered;
	s6 =	simm.s32 $_tile_overlayer_lowered  }
0x19: {  	s23 =	simm.s32 $0x1BFF;
	s22 =	sshll.u32 s6, $0x1;
	s3 =	sadd.s32 s20, s19  }
0x1a: {  	s7 =	simm.s32 $0x0;
	s21 =	sshll.u32 s5, $0x1;
	s5 =	sadd.s32 s22, s3  }
0x1b: {  	[timem:s7], [sflag:s23] =	dma.local [hbm:s5], s21  }
0x1c: {  	_ =	swait.ge [sflag:s23], s21  }
0x1d: {  	s4 =	ssub.s32 $0x0, s21;
	[sflag:s23] =	ssyncset.done $0x0  }
0x1e: {  	[sflag:s23] =	ssyncadd.s32 s4;
	_ =	sdelay $0x1  }
0x1f: {  	s24 =	simm.s32 $0x1B8B  }
0x20: {  	_ =	swait.ge [sflag:s24], $0x1  }
0x21: {  	[sflag:s24] =	ssyncset.done $0x0  }
0x22: {  	s26 =	simm.s32 $0x1B8E;
	s25 =	sld [smem:$0x3FFE];
	[sflag:s24] =	ssyncadd.s32 $0xFFFFFFFF  }
0x23: {  	s27 =	simm.s32 $execute0_lowered;
	[smem:$0x3FD2] =	sst s26  }
0x24: {  	s5 =	sshll.u32 s27, $0x1;
	_ =	strace $0x80000049;
	[dreg:$0x1] =	wrdreg $0xFFFFFFFF  }
0x25: {  	s28 =	simm.s32 $_size_execute0_lowered;
	s3 =	sadd.s32 s3, s5;
	[dreg:$0x0] =	wrdreg $0x0  }
0x26: {  	s5 =	sshll.u32 s28, $0x1;
	[dreg:$0x2] =	wrdreg s3  }
0x27: {  	[dreg:$0x3] =	wrdreg s5  }
0x28: {  	[dreg:$0x4] =	wrdreg $0xC0  }
0x29: {  	_ =	task [dreg:s7], $0x5FFFF  }
0x2a: {  	[dreg:$0x1] =	wrdreg $0xFFFFFFFF  }
0x2b: {  	[dreg:$0x0] =	wrdreg $0x60  }
0x2c: {  	[dreg:$0x2] =	wrdreg s25  }
0x2d: {  	[dreg:$0x3] =	wrdreg s17  }
0x2e: {  	[dreg:$0x4] =	wrdreg $0xA  }
0x2f: {  	_ =	task.clear_ibuf [dreg:s7], $0x5FFFF;
	_ =	strace $0x90000049  }
0x30: {  	s29 =	simm.s32 $0xA;
	_ =	strace $0x8000004B  }
0x31: {  	_ =	swait.ge [sflag:s29], $0x1  }
0x32: {  	[sflag:s29] =	ssyncadd.s32 $0xFFFFFFFF  }
0x33: {  	_ =	strace $0x9000004B  }
0x34: {  	_ =	sfence  }
0x35: {  	s30 =	sld [smem:$0x0];
	_ =	sdelay $0x2  }
0x36: {  	s31 =	sshll.u32 s1, $0xD;
	s1 =	sshrl.u32 s1, $0x2  }
0x37: {  	s3 =	sand.u32 $0x4000, s31;
	s1 =	sadd.s32 s1, s30  }
0x38: {  	s0 =	sor.u32 s3, s0;
	s1 =	sshll.u32 s1, $0x11  }
0x39: {  	s0 =	sor.u32 s1, s0  }
0x3a: {  	s0 =	sadd.s32 $0x8F2B, s0  }
0x3b: {  	[sflag:s0] =	ssyncadd.remote.s32 $0x1  }
0x3c: {  	_ =	sfence.sel $0xFFFF  }
0x3d: {  	[dreg:$0x0] =	wrdreg $0xFFFFFFFF;
	(pc) =	sbr.abs _section_cstart, $3  }
0x3e: {  	[dreg:$0x1] =	wrdreg $0xFFFFFFFF  }
0x3f: {  	_ =	task.clear_ibuf [dreg:s7], $0x2FFFF;
	_ =	strace $0x9FFFFFFF  }
0x40: {  	(tm) =	ssettm $0x7FFFFFFF  }
0x41: {  	_ =	shalt  }
tec
execute0_lowered:
.L_overlay_start_1:
0x0: {  	(tag) =	ssettag $0x1  }
0x1: {  	s0 =	srdreg.scid  }
0x2: {  	s1 =	sshll.u32 s0, $0x4  }
0x3: {  	s4 =	rddreg [dreg:$0x0];
	s0 =	stileid.u32;
	s1 =	sand.u32 $0x10, s1  }
0x4: {  	s2 =	rddreg [dreg:$0x1];
	s7 =	simm.s32 $0x1;
	s1 =	sor.u32 s0, s1  }
0x5: {  	s8 =	simm.s32 $0x2;
	s11 =	simm.s32 $0x0;
	s3 =	sshll.u32 s1, $0x7  }
0x6: {  	s10 =	simm.s32 $0x0;
	s4 =	sadd.s32 $0x3000, s4;
	s6 =	ssub.s32 $0x40000, s3  }
.Ltmp0:
0x7: {  	s1 =	rddreg [dreg:$0x2];
	s5 =	sand.u32 $0xF80, s6;
	(pc) =	sbr.rel .LBB1_1-.Ltmp0, $4  }
0x8: {  	_ =	strace $0x8000004A;
	s9 =	smov.u32 s3;
	p0 =	sne.s32 s5, $0x0  }
0x9: {  	s6 =	sshrl.u32 s6, $0xC;
	s5 =	simm.s32 $0x1;
	s7 =	simm.s32 @!p0 $0x0  }
0xa: {  	[sflag:s5] =	ssyncpa.u1 $0x0;
	p0 =	por $0x0, $0x0;
	s6 =	sadd.s32 s7, s6  }
0xb: {  	[sflag:s8] =	ssyncpa.u1 $0x0;
	s8 =	simm.s32 $0x200000;
	s7 =	sadd.s32 $0x1, s6  }
.LBB1_4:
0xc: {  	s14 =	sshll.u32 s11, $0x3  }
0xd: {  	s15 =	sand.u32 $0x78, s11;
	s14 =	sand.u32 $0x3FC00, s14  }
0xe: {  	[tilespmem:s13+$0x810 ss:$0x81] =	vst.msk $0xffff, v2;
	s29 =	sand.u32 $0x1F8000, s11;
	s30 =	sand.u32 $0x7, s11;
	s14 =	sor.u32 s15, s14  }
0xf: {  	[tilespmem:s13+$0x1020 ss:$0x81] =	vst.msk $0xffff, v0;
	s11 =	sshll.u32 s30, $0x12;
	s15 =	sadd.s32 s2, s29;
	s14 =	sshrl.u32 s14, $0x3  }
0x10: {  	[tilespmem:s13+$0x0 ss:$0x81] =	vst.msk $0xffff, v1;
	s11 =	sor.u32 $0x400, s11;
	s31 =	sadd.s32 s14, s15  }
0x11: {  	[hbm4b:s31+s11] =	stream.strided.scatter [tilespmem:s12], [sflag:$0x2], $0x2000, s8, s11, $0x20;
	[tilespmem:$0x8080] =	vst v63  }
.LBB1_5:
0x12: {  	s13 =	sadd.s32 $0x1000, s9  }
0x13: {  	p2 =	sgt.s32 s13, $0x3FFFF  }
0x14: {  	s13 =	smov.u32 @p2 s3;
	p2 =	sne.s32 s10, s7  }
.Ltmp1:
0x15: {  	p1 =	slt.u32 s10, $0x2;
	(pc) =	sbr.rel @!p2 .LBB1_6-.Ltmp1, $4  }
0x16: {  	s12 =	simm.s32 @!p1 $0x2  }
0x17: {  	s14 =	sadd.s32 $0x1, s10;
	_ =	swait.ge @!p1 [sflag:s12], $0x2000  }
0x18: {  	s11 =	smov.u32 s9;
	p0 =	por !p0, !p0;
	[sflag:s12] =	ssyncset.done @!p1 $0x0  }
0x19: {  	s10 =	smov.u32 s14;
	s9 =	smov.u32 s13;
	[sflag:s12] =	ssyncadd.s32 @!p1 $0xFFFFE000  }
.LBB1_1:
0x1a: {  	p1 =	sge.u32 s10, s6  }
0x1b: {  	s31 =	sadd.s32 $0xFFFFFFFF, s10;
	s12 =	sxor.u32 @!p1 $0xFFFFFFFF, s10;
	s13 =	sshll.u32 @!p1 s9, $0x4  }
0x1c: {  	s14 =	simm.s32 @!p1 $0x40;
	s12 =	sshll.u32 @!p1 s12, $0xD;
	s13 =	sand.u32 @!p1 $0x3FFFF0, s13  }
0x1d: {  	s15 =	simm.s32 @!p1 $0x80;
	s12 =	sand.u32 @!p1 $0x2000, s12;
	s13 =	sadd.s32 @!p1 s4, s13  }
0x1e: {  	[tilespmem:s12], [sflag:$0x1] =	stream.strided.gather @!p1 [hbm4b:s13+s14], $0x2000, s15, s14, $0x38;
	[tilespmem:$0x8080] =	vst v63  }
0x1f: {  	p1 =	sge.u32 s31, s6  }
.Ltmp2:
0x20: {  	_ = 	snop;
	(pc) =	sbr.rel @p1 .LBB1_5-.Ltmp2, $1  }
0x21: {  	_ =	sdelay $0x3  }
0x22: {  	s12 =	simm.s32 $0x1  }
0x23: {  	_ =	swait.ge [sflag:s5], $0x2000;
	s12 =	simm.s32 @!p0 $0x0  }
0x24: {  	[sflag:s5] =	ssyncset.done $0x0;
	s13 =	sshll.u32 s12, $0xD  }
0x25: {  	[sflag:s5] =	ssyncadd.s32 $0xFFFFE000;
	s16 =	sor.u32 $0x20, s13  }
0x26: {  	s12 =	smul.u32 $0x8100, s12;
	v3 =	vld [tilespmem:s16+$0x10]  }
0x27: {  	s30 =	sand.u32 $0x1, s10;
	v2 =	vld [tilespmem:s16+$0xFFFFFFF0]  }
0x28: {  	s13 =	smul.u32 $0x8100, s30;
	s12 =	sshrl.u32 s12, $0x2;
	v0 =	vld [tilespmem:s16+$0x0]  }
0x29: {  	v1 =	vld [tilespmem:s16+$0xFFFFFFE0];
	s14 =	sor.u32 $0x4000, s12  }
0x2a: {  	s31 =	sshrl.u32 s13, $0x2;
	s13 =	sadd.s32 $0x0, s14  }
0x2b: {  	s15 =	simm.s32 $0x4;
	s16 =	sadd.s32 $0x40, s16;
	s12 =	sor.u32 $0x4000, s31;
	[tilespmem:s13+$0x1830 ss:$0x81] =	vst.msk $0xffff, v3  }
.LBB1_3:
0x2c: {  	v3 =	vld [tilespmem:s16+$0x10];
	p1 =	sne.s32 s15, $0x1FC;
	[tilespmem:s13+$0x810 ss:$0x81] =	vst.msk $0xffff, v2;
	s17 =	smov.u32 s15;
	s15 =	sadd.s32 $0x4, s15  }
.Ltmp3:
0x2d: {  	v2 =	vld [tilespmem:s16+$0xFFFFFFF0];
	[tilespmem:s13+$0x1020 ss:$0x81] =	vst.msk $0xffff, v0;
	(pc) =	sbr.rel @p1 .LBB1_3-.Ltmp3, $4  }
0x2e: {  	v0 =	vld [tilespmem:s16+$0x0];
	[tilespmem:s13+$0x0 ss:$0x81] =	vst.msk $0xffff, v1  }
0x2f: {  	s13 =	sshra.s32 s17, $0x2;
	v1 =	vld [tilespmem:s16+$0xFFFFFFE0]  }
0x30: {  	s13 =	sadd.s32 s13, s14  }
0x31: {  	s16 =	sadd.s32 $0x40, s16;
	[tilespmem:s13+$0x1830 ss:$0x81] =	vst.msk $0xffff, v3  }
.Ltmp4:
0x32: {  	_ = 	snop;
	(pc) =	sbr.rel .LBB1_4-.Ltmp4, $1  }
0x33: {  	_ =	sdelay $0x3  }
.LBB1_6:
0x34: {  	_ =	sfence.sel $0x180000  }
0x35: {  	s2 =	simm.s32 $0x1;
	[bflag:$0x0] =	sbarrier.arrive $0xFFFF  }
0x36: {  	s31 =	simm.s32 $0x2;
	[sflag:s2] =	ssyncpa.u1 $0x1  }
0x37: {  	[sflag:s31] =	ssyncpa.u1 $0x1  }
0x38: {  	p0 =	sne.s32 s0, $0x0;
	_ =	strace $0x9000004A  }
0x39: {  	s0 =	sadd.s32 @!p0 $0x100000, s1;
	[bflag:$0x2] =	sbarrier.arrive $0xFFFF  }
0x3a: {  	[sflag:s0] =	ssyncadd.tile.s32 @!p0 $0x1;
	_ =	shalt  }
.Lfunc_end1:
_tile_overlayer_lowered:
.L_overlay_start_2:
0x3b: {  	(tag) =	ssettag $0x2  }
0x3c: {  	s0 =	rddreg [dreg:$0x0];
	s2 =	stileid.u32  }
0x3d: {  	s1 =	rddreg [dreg:$0x1];
	p0 =	sne.s32 s2, $0x0  }
0x3e: {  	s3 =	rddreg [dreg:$0x2];
	[bflag:$0x3] =	sbarrier.arrive $0xFFFF;
	s2 =	simm.s32 @!p0 $0x1C01  }
0x3f: {  	[timem:s3], [sflag:s2] =	dma.local @!p0 [hbm:s0], s1  }
0x40: {  	s0 =	simm.s32 @!p0 $0x1  }
0x41: {  	_ =	swait.ge @!p0 [sflag:s0], s1  }
0x42: {  	s1 =	ssub.s32 @!p0 $0x0, s1;
	[sflag:s0] =	ssyncset.done @!p0 $0x0  }
0x43: {  	[sflag:s0] =	ssyncadd.s32 @!p0 s1  }
0x44: {  	[bflag:$0x3] =	sbarrier.arrive $0xFFFF  }
0x45: {  	_ =	shalt  }

// kernel: sparse-core-data-format-call.cloned.1.call-start
scs
called_computation_lowered:
.L_overlay_start_0:
0x0: {  	s2 =	sld [smem:$0x3FD9]  }
0x1: {  	s3 =	sld [smem:$0x3FFE];
	_ =	sdelay $0x1  }
0x2: {  	s1 =	srdreg.scid  }
0x3: {  	s0 =	sand.u32 $0x1, s1  }
0x4: {  	s16 =	sshll.u32 s0, $0xA;
	s2 =	sadd.s32 s3, s2  }
0x5: {  	s2 =	sadd.s32 s2, s16  }
0x6: {  	[smem:$0x3FC2] =	sst s2  }
0x7: {  	_ = 	snop  }
0x8: {  	s2 =	sld [smem:$0x3FD0];
	_ =	sdelay $0x2  }
0x9: {  	s17 =	simm.s32 $0xB;
	s4 =	simm.s32 $0x10  }
0xa: {  	[smem:s4], [sflag:s17] =	dma.local [hbm:s2], $0x1  }
0xb: {  	_ =	swait.eq [sflag:s17], $0x1  }
0xc: {  	[sflag:s17] =	ssyncset.done $0x0  }
0xd: {  	[sflag:s17] =	ssyncadd.s32 $0xFFFFFFFF  }
0xe: {  	s18 =	sld [smem:$0x13];
	(tm) =	ssettm $0x1  }
0xf: {  	s19 =	sld [smem:$0x3FFB];
	_ =	sdelay $0x3  }
0x10: {  	_ =	strace s19  }
0x11: {  	s2 =	sld [smem:$0x3FFC];
	_ =	sdelay $0x3  }
0x12: {  	_ =	strace s2  }
0x13: {  	s2 =	sld [smem:$0x3FFD];
	_ =	sdelay $0x3  }
0x14: {  	_ =	strace s2  }
0x15: {  	_ =	strace $0x8FFFFFFF  }
0x16: {  	s20 =	sld [smem:$0x3FDB];
	_ =	sdelay $0x1  }
0x17: {  	s21 =	simm.s32 $_scs_section_size  }
0x18: {  	s5 =	simm.s32 $_size__tile_overlayer_lowered;
	s6 =	simm.s32 $_tile_overlayer_lowered  }
0x19: {  	s7 =	simm.s32 $0x1BFF;
	s22 =	sshll.u32 s6, $0x1;
	s4 =	sadd.s32 s21, s20  }
0x1a: {  	s23 =	simm.s32 $0x0;
	s5 =	sshll.u32 s5, $0x1;
	s6 =	sadd.s32 s22, s4  }
0x1b: {  	[timem:s23], [sflag:s7] =	dma.local [hbm:s6], s5  }
0x1c: {  	_ =	swait.ge [sflag:s7], s5  }
0x1d: {  	s5 =	ssub.s32 $0x0, s5;
	[sflag:s7] =	ssyncset.done $0x0  }
0x1e: {  	[sflag:s7] =	ssyncadd.s32 s5;
	_ =	sdelay $0x1  }
0x1f: {  	s24 =	simm.s32 $0x1B8B  }
0x20: {  	_ =	swait.ge [sflag:s24], $0x1  }
0x21: {  	[sflag:s24] =	ssyncset.done $0x0  }
0x22: {  	[sflag:s24] =	ssyncadd.s32 $0xFFFFFFFF  }
0x23: {  	s5 =	sld [smem:$0x0]  }
0x24: {  	s6 =	sand.u32 $0xFFFFFFFE, s1  }
0x25: {  	p0 =	sne.s32 s1, s6  }
0x26: {  	s6 =	sshll.u32 @p0 s6, $0xE  }
0x27: {  	s6 =	sadd.s32 @p0 $0x11B8D, s6;
	s7 =	sshll.u32 @p0 s5, $0x11  }
0x28: {  	s6 =	sor.u32 @p0 s7, s6  }
0x29: {  	[sflag:s6] =	ssyncadd.remote.s32 @p0 $0x1;
	_ =	sdelay $0x1  }
0x2a: {  	s6 =	simm.s32 @p0 $0x1B8D  }
0x2b: {  	_ =	swait.eq @p0 [sflag:s6], $0x1  }
0x2c: {  	[sflag:s6] =	ssyncadd.s32 @p0 $0xFFFFFFFF  }
0x2d: {  	s7 =	sshll.u32 @!p0 s1, $0xE  }
0x2e: {  	s7 =	sor.u32 @!p0 $0x4000, s7;
	s6 =	simm.s32 @!p0 $0x1B8D  }
0x2f: {  	s5 =	sshll.u32 @!p0 s5, $0x11;
	s7 =	sadd.s32 @!p0 $0x11B8D, s7;
	_ =	swait.eq @!p0 [sflag:s6], $0x1  }
0x30: {  	s5 =	sor.u32 @!p0 s5, s7;
	[sflag:s6] =	ssyncadd.s32 @!p0 $0xFFFFFFFF  }
0x31: {  	s26 =	simm.s32 $0x1B8E;
	s25 =	sld [smem:$0x3FFE];
	[sflag:s5] =	ssyncadd.remote.s32 @!p0 $0x1  }
0x32: {  	s27 =	simm.s32 $execute0_lowered;
	[smem:$0x3FD2] =	sst s26  }
0x33: {  	s6 =	sshll.u32 s27, $0x1;
	_ =	strace $0x8000004C;
	[dreg:$0x1] =	wrdreg $0xFFFFFFFF  }
0x34: {  	s28 =	simm.s32 $_size_execute0_lowered;
	s4 =	sadd.s32 s4, s6;
	[dreg:$0x0] =	wrdreg $0x0  }
0x35: {  	s6 =	sshll.u32 s28, $0x1;
	[dreg:$0x2] =	wrdreg s4  }
0x36: {  	[dreg:$0x3] =	wrdreg s6  }
0x37: {  	[dreg:$0x4] =	wrdreg $0xC0  }
0x38: {  	_ =	task [dreg:s23], $0x5FFFF  }
0x39: {  	[dreg:$0x1] =	wrdreg $0xFFFFFFFF  }
0x3a: {  	[dreg:$0x0] =	wrdreg $0x60  }
0x3b: {  	[dreg:$0x2] =	wrdreg s25  }
0x3c: {  	[dreg:$0x3] =	wrdreg s18  }
0x3d: {  	[dreg:$0x4] =	wrdreg $0x9  }
0x3e: {  	_ =	task.clear_ibuf [dreg:s23], $0x5FFFF;
	_ =	strace $0x9000004C  }
0x3f: {  	s29 =	simm.s32 $0x9;
	_ =	strace $0x8000004E  }
0x40: {  	_ =	swait.ge [sflag:s29], $0x1  }
0x41: {  	[sflag:s29] =	ssyncadd.s32 $0xFFFFFFFF  }
0x42: {  	_ =	strace $0x9000004E  }
0x43: {  	_ =	sfence  }
0x44: {  	s30 =	sld [smem:$0x0];
	_ =	sdelay $0x2  }
0x45: {  	s31 =	sshll.u32 s1, $0xD;
	s1 =	sshrl.u32 s1, $0x2  }
0x46: {  	s4 =	sand.u32 $0x4000, s31;
	s1 =	sadd.s32 s1, s30  }
0x47: {  	s0 =	sor.u32 s4, s0;
	s1 =	sshll.u32 s1, $0x11  }
0x48: {  	s0 =	sor.u32 s1, s0  }
0x49: {  	s0 =	sadd.s32 $0x8F2B, s0  }
0x4a: {  	[sflag:s0] =	ssyncadd.remote.s32 $0x1  }
0x4b: {  	_ =	sfence.sel $0xFFFF  }
0x4c: {  	[dreg:$0x0] =	wrdreg $0xFFFFFFFF;
	(pc) =	sbr.abs _section_cstart, $3  }
0x4d: {  	[dreg:$0x1] =	wrdreg $0xFFFFFFFF  }
0x4e: {  	_ =	task.clear_ibuf [dreg:s23], $0x2FFFF;
	_ =	strace $0x9FFFFFFF  }
0x4f: {  	(tm) =	ssettm $0x7FFFFFFF  }
tec
execute0_lowered:
.L_overlay_start_1:
0x0: {  	(tag) =	ssettag $0x1  }
0x1: {  	s0 =	srdreg.scid  }
0x2: {  	s1 =	sshll.u32 s0, $0x4  }
0x3: {  	s4 =	rddreg [dreg:$0x0];
	s0 =	stileid.u32;
	s1 =	sand.u32 $0x10, s1  }
0x4: {  	s2 =	rddreg [dreg:$0x1];
	s7 =	simm.s32 $0x1;
	s1 =	sor.u32 s0, s1  }
0x5: {  	s8 =	simm.s32 $0x2;
	s11 =	simm.s32 $0x0;
	s3 =	sshll.u32 s1, $0x7  }
0x6: {  	s10 =	simm.s32 $0x0;
	s4 =	sadd.s32 $0x403000, s4;
	s6 =	ssub.s32 $0x40000, s3  }
.Ltmp0:
0x7: {  	s1 =	rddreg [dreg:$0x2];
	s5 =	sand.u32 $0xF80, s6;
	(pc) =	sbr.rel .LBB1_1-.Ltmp0, $4  }
0x8: {  	_ =	strace $0x8000004D;
	s9 =	smov.u32 s3;
	p0 =	sne.s32 s5, $0x0  }
0x9: {  	s6 =	sshrl.u32 s6, $0xC;
	s5 =	simm.s32 $0x1;
	s7 =	simm.s32 @!p0 $0x0  }
0xa: {  	[sflag:s5] =	ssyncpa.u1 $0x0;
	p0 =	por $0x0, $0x0;
	s6 =	sadd.s32 s7, s6  }
0xb: {  	[sflag:s8] =	ssyncpa.u1 $0x0;
	s8 =	simm.s32 $0x200000;
	s7 =	sadd.s32 $0x1, s6  }
.LBB1_4:
0xc: {  	s14 =	sshll.u32 s11, $0x3  }
0xd: {  	s15 =	sand.u32 $0x78, s11;
	s14 =	sand.u32 $0x3FC00, s14  }
0xe: {  	[tilespmem:s13+$0x810 ss:$0x81] =	vst.msk $0xffff, v2;
	s29 =	sand.u32 $0x1F8000, s11;
	s30 =	sand.u32 $0x7, s11;
	s14 =	sor.u32 s15, s14  }
0xf: {  	[tilespmem:s13+$0x1020 ss:$0x81] =	vst.msk $0xffff, v0;
	s11 =	sshll.u32 s30, $0x12;
	s15 =	sadd.s32 s2, s29;
	s14 =	sshrl.u32 s14, $0x3  }
0x10: {  	[tilespmem:s13+$0x0 ss:$0x81] =	vst.msk $0xffff, v1;
	s11 =	sor.u32 $0x400, s11;
	s31 =	sadd.s32 s14, s15  }
0x11: {  	[hbm4b:s31+s11] =	stream.strided.scatter [tilespmem:s12], [sflag:$0x2], $0x2000, s8, s11, $0x20;
	[tilespmem:$0x8080] =	vst v63  }
.LBB1_5:
0x12: {  	s13 =	sadd.s32 $0x1000, s9  }
0x13: {  	p2 =	sgt.s32 s13, $0x3FFFF  }
0x14: {  	s13 =	smov.u32 @p2 s3;
	p2 =	sne.s32 s10, s7  }
.Ltmp1:
0x15: {  	p1 =	slt.u32 s10, $0x2;
	(pc) =	sbr.rel @!p2 .LBB1_6-.Ltmp1, $4  }
0x16: {  	s12 =	simm.s32 @!p1 $0x2  }
0x17: {  	s14 =	sadd.s32 $0x1, s10;
	_ =	swait.ge @!p1 [sflag:s12], $0x2000  }
0x18: {  	s11 =	smov.u32 s9;
	p0 =	por !p0, !p0;
	[sflag:s12] =	ssyncset.done @!p1 $0x0  }
0x19: {  	s10 =	smov.u32 s14;
	s9 =	smov.u32 s13;
	[sflag:s12] =	ssyncadd.s32 @!p1 $0xFFFFE000  }
.LBB1_1:
0x1a: {  	p1 =	sge.u32 s10, s6  }
0x1b: {  	s31 =	sadd.s32 $0xFFFFFFFF, s10;
	s12 =	sxor.u32 @!p1 $0xFFFFFFFF, s10;
	s13 =	sshll.u32 @!p1 s9, $0x4  }
0x1c: {  	s14 =	simm.s32 @!p1 $0x40;
	s12 =	sshll.u32 @!p1 s12, $0xD;
	s13 =	sand.u32 @!p1 $0x3FFFF0, s13  }
0x1d: {  	s15 =	simm.s32 @!p1 $0x80;
	s12 =	sand.u32 @!p1 $0x2000, s12;
	s13 =	sadd.s32 @!p1 s4, s13  }
0x1e: {  	[tilespmem:s12], [sflag:$0x1] =	stream.strided.gather @!p1 [hbm4b:s13+s14], $0x2000, s15, s14, $0x38;
	[tilespmem:$0x8080] =	vst v63  }
0x1f: {  	p1 =	sge.u32 s31, s6  }
.Ltmp2:
0x20: {  	_ = 	snop;
	(pc) =	sbr.rel @p1 .LBB1_5-.Ltmp2, $1  }
0x21: {  	_ =	sdelay $0x3  }
0x22: {  	s12 =	simm.s32 $0x1  }
0x23: {  	_ =	swait.ge [sflag:s5], $0x2000;
	s12 =	simm.s32 @!p0 $0x0  }
0x24: {  	[sflag:s5] =	ssyncset.done $0x0;
	s13 =	sshll.u32 s12, $0xD  }
0x25: {  	[sflag:s5] =	ssyncadd.s32 $0xFFFFE000;
	s16 =	sor.u32 $0x20, s13  }
0x26: {  	s12 =	smul.u32 $0x8100, s12;
	v3 =	vld [tilespmem:s16+$0x10]  }
0x27: {  	s30 =	sand.u32 $0x1, s10;
	v2 =	vld [tilespmem:s16+$0xFFFFFFF0]  }
0x28: {  	s13 =	smul.u32 $0x8100, s30;
	s12 =	sshrl.u32 s12, $0x2;
	v0 =	vld [tilespmem:s16+$0x0]  }
0x29: {  	v1 =	vld [tilespmem:s16+$0xFFFFFFE0];
	s14 =	sor.u32 $0x4000, s12  }
0x2a: {  	s31 =	sshrl.u32 s13, $0x2;
	s13 =	sadd.s32 $0x0, s14  }
0x2b: {  	s15 =	simm.s32 $0x4;
	s16 =	sadd.s32 $0x40, s16;
	s12 =	sor.u32 $0x4000, s31;
	[tilespmem:s13+$0x1830 ss:$0x81] =	vst.msk $0xffff, v3  }
.LBB1_3:
0x2c: {  	v3 =	vld [tilespmem:s16+$0x10];
	p1 =	sne.s32 s15, $0x1FC;
	[tilespmem:s13+$0x810 ss:$0x81] =	vst.msk $0xffff, v2;
	s17 =	smov.u32 s15;
	s15 =	sadd.s32 $0x4, s15  }
.Ltmp3:
0x2d: {  	v2 =	vld [tilespmem:s16+$0xFFFFFFF0];
	[tilespmem:s13+$0x1020 ss:$0x81] =	vst.msk $0xffff, v0;
	(pc) =	sbr.rel @p1 .LBB1_3-.Ltmp3, $4  }
0x2e: {  	v0 =	vld [tilespmem:s16+$0x0];
	[tilespmem:s13+$0x0 ss:$0x81] =	vst.msk $0xffff, v1  }
0x2f: {  	s13 =	sshra.s32 s17, $0x2;
	v1 =	vld [tilespmem:s16+$0xFFFFFFE0]  }
0x30: {  	s13 =	sadd.s32 s13, s14  }
0x31: {  	s16 =	sadd.s32 $0x40, s16;
	[tilespmem:s13+$0x1830 ss:$0x81] =	vst.msk $0xffff, v3  }
.Ltmp4:
0x32: {  	_ = 	snop;
	(pc) =	sbr.rel .LBB1_4-.Ltmp4, $1  }
0x33: {  	_ =	sdelay $0x3  }
.LBB1_6:
0x34: {  	_ =	sfence.sel $0x180000  }
0x35: {  	s2 =	simm.s32 $0x1;
	[bflag:$0x0] =	sbarrier.arrive $0xFFFF  }
0x36: {  	s31 =	simm.s32 $0x2;
	[sflag:s2] =	ssyncpa.u1 $0x1  }
0x37: {  	[sflag:s31] =	ssyncpa.u1 $0x1  }
0x38: {  	p0 =	sne.s32 s0, $0x0;
	_ =	strace $0x9000004D  }
0x39: {  	s0 =	sadd.s32 @!p0 $0x100000, s1;
	[bflag:$0x2] =	sbarrier.arrive $0xFFFF  }
0x3a: {  	[sflag:s0] =	ssyncadd.tile.s32 @!p0 $0x1;
	_ =	shalt  }
.Lfunc_end1:
_tile_overlayer_lowered:
.L_overlay_start_2:
0x3b: {  	(tag) =	ssettag $0x2  }
0x3c: {  	s0 =	rddreg [dreg:$0x0];
	s2 =	stileid.u32  }
0x3d: {  	s1 =	rddreg [dreg:$0x1];
	p0 =	sne.s32 s2, $0x0  }
0x3e: {  	s3 =	rddreg [dreg:$0x2];
	[bflag:$0x3] =	sbarrier.arrive $0xFFFF;
	s2 =	simm.s32 @!p0 $0x1C01  }
0x3f: {  	[timem:s3], [sflag:s2] =	dma.local @!p0 [hbm:s0], s1  }
0x40: {  	s0 =	simm.s32 @!p0 $0x1  }
0x41: {  	_ =	swait.ge @!p0 [sflag:s0], s1  }
0x42: {  	s1 =	ssub.s32 @!p0 $0x0, s1;
	[sflag:s0] =	ssyncset.done @!p0 $0x0  }
0x43: {  	[sflag:s0] =	ssyncadd.s32 @!p0 s1  }
0x44: {  	[bflag:$0x3] =	sbarrier.arrive $0xFFFF  }
0x45: {  	_ =	shalt  }

</sc_bundles>
